<compile_context>
chip_gen: v7x
topology: tpu7x:2x2x1
jax: 0.10.2.dev20260603
libtpu: 0.0.44.dev20260713+nightly
codegen_flags: <defaults>
</compile_context>

<pallas_src>
import functools

import jax
import jax.numpy as jnp
from jax import lax
from jax.experimental import pallas as pl
from jax.experimental.pallas import tpu as pltpu
from jax.experimental.pallas import tpu_sc as plsc

N_NODES = 10000
N_PAIRS = 320000
F = 128


_PRE_BLK = 1000


def _premul_body(x_ref, w1a_ref, w1b_ref, xa_ref, xb_ref):
    x = x_ref[...]
    xa_ref[...] = jnp.dot(x, w1a_ref[...], preferred_element_type=jnp.float32)
    xb_ref[...] = jnp.dot(x, w1b_ref[...], preferred_element_type=jnp.float32)


def _premul(x, w1a, w1b):
    grid = (N_NODES // _PRE_BLK,)
    return pl.pallas_call(
        _premul_body,
        grid=grid,
        in_specs=[
            pl.BlockSpec((_PRE_BLK, F), lambda i: (i, 0)),
            pl.BlockSpec((F, F), lambda i: (0, 0)),
            pl.BlockSpec((F, F), lambda i: (0, 0)),
        ],
        out_specs=[
            pl.BlockSpec((_PRE_BLK, F), lambda i: (i, 0)),
            pl.BlockSpec((_PRE_BLK, F), lambda i: (i, 0)),
        ],
        out_shape=[
            jax.ShapeDtypeStruct((N_NODES, F), jnp.float32),
            jax.ShapeDtypeStruct((N_NODES, F), jnp.float32),
        ],
    )(x, w1a, w1b)



_CHUNK = 128
_NW = 32
_NP_SC = N_PAIRS
_PW = _NP_SC // _NW
_NFULL = _PW // _CHUNK
_NTAIL = _PW % _CHUNK


def _gather_add_body(xa_hbm, xb_hbm, idxi_hbm, idxj_hbm, g_hbm,
                     idxi_v, idxj_v,
                     bufa0, bufb0, bufc0, bufa1, bufb1, bufc1,
                     bufta, buftb,
                     sa0, sb0, sc0, sa1, sb1, sc1):
    wid = lax.axis_index("s") * 2 + lax.axis_index("c")
    wbase = wid * _PW

    pltpu.sync_copy(idxi_hbm.at[pl.ds(wbase, _PW)], idxi_v)
    pltpu.sync_copy(idxj_hbm.at[pl.ds(wbase, _PW)], idxj_v)

    def fire(t, bufa, bufb, sa, sb):
        off = t * _CHUNK
        pltpu.async_copy(xa_hbm.at[idxi_v.at[pl.ds(off, _CHUNK)]], bufa, sa)
        pltpu.async_copy(xb_hbm.at[idxj_v.at[pl.ds(off, _CHUNK)]], bufb, sb)

    def drain_gather(bufa, bufb, sa, sb):
        pltpu.make_async_copy(xa_hbm.at[pl.ds(0, _CHUNK)], bufa, sa).wait()
        pltpu.make_async_copy(xa_hbm.at[pl.ds(0, _CHUNK)], bufb, sb).wait()

    def add_rows(nrows, bufa, bufb, bufc):
        def add_row(r, c2):
            for k in range(F // 16):
                sl = pl.ds(k * 16, 16)
                bufc[r, sl] = bufa[r, sl] + bufb[r, sl]
            return c2

        lax.fori_loop(0, nrows, add_row, 0)

    toff = _NFULL * _CHUNK
    cpa = pltpu.async_copy(xa_hbm.at[idxi_v.at[pl.ds(toff, _NTAIL)]], bufta, sa0)
    cpb = pltpu.async_copy(xb_hbm.at[idxj_v.at[pl.ds(toff, _NTAIL)]], buftb, sb0)
    cpa.wait()
    cpb.wait()
    add_rows(_NTAIL, bufta, buftb, bufta)
    pltpu.sync_copy(bufta, g_hbm.at[pl.ds(wbase + toff, _NTAIL)])

    fire(0, bufa0, bufb0, sa0, sb0)
    fire(1, bufa1, bufb1, sa1, sb1)

    def do_set(u, t, bufa, bufb, bufc, sa, sb, sc):
        drain_gather(bufa, bufb, sa, sb)

        @pl.when(u > 0)
        def _wait_prev_store():
            pltpu.make_async_copy(bufc, g_hbm.at[pl.ds(0, _CHUNK)], sc).wait()

        add_rows(_CHUNK, bufa, bufb, bufc)

        @pl.when(t + 2 < _NFULL)
        def _fire_next():
            fire(t + 2, bufa, bufb, sa, sb)

        pltpu.async_copy(bufc, g_hbm.at[pl.ds(wbase + t * _CHUNK, _CHUNK)], sc)

    def body(u, carry):
        do_set(u, 2 * u, bufa0, bufb0, bufc0, sa0, sb0, sc0)
        do_set(u, 2 * u + 1, bufa1, bufb1, bufc1, sa1, sb1, sc1)
        return carry

    lax.fori_loop(0, _NFULL // 2, body, 0)

    if _NFULL % 2 == 1:
        do_set(_NFULL // 2, _NFULL - 1, bufa0, bufb0, bufc0, sa0, sb0, sc0)

    pltpu.make_async_copy(bufc0, g_hbm.at[pl.ds(0, _CHUNK)], sc0).wait()
    pltpu.make_async_copy(bufc1, g_hbm.at[pl.ds(0, _CHUNK)], sc1).wait()


@functools.cache
def _make_gather_add():
    return functools.partial(
        pl.kernel,
        out_type=jax.ShapeDtypeStruct((_NP_SC, F), jnp.float32),
        mesh=plsc.VectorSubcoreMesh(core_axis_name="c", subcore_axis_name="s"),
        compiler_params=pltpu.CompilerParams(needs_layout_passes=False),
        scratch_types=[
            pltpu.VMEM((_PW,), jnp.int32),
            pltpu.VMEM((_PW,), jnp.int32),
            pltpu.VMEM((_CHUNK, F), jnp.float32),
            pltpu.VMEM((_CHUNK, F), jnp.float32),
            pltpu.VMEM((_CHUNK, F), jnp.float32),
            pltpu.VMEM((_CHUNK, F), jnp.float32),
            pltpu.VMEM((_CHUNK, F), jnp.float32),
            pltpu.VMEM((_CHUNK, F), jnp.float32),
            pltpu.VMEM((_NTAIL, F), jnp.float32),
            pltpu.VMEM((_NTAIL, F), jnp.float32),
            pltpu.SemaphoreType.DMA,
            pltpu.SemaphoreType.DMA,
            pltpu.SemaphoreType.DMA,
            pltpu.SemaphoreType.DMA,
            pltpu.SemaphoreType.DMA,
            pltpu.SemaphoreType.DMA,
        ],
    )(_gather_add_body)



_MLP_BLK = 2560
_MLP_NB = N_PAIRS // _MLP_BLK


def _mlp_body(w_ref, g_ref, w1c_ref, b1_ref, w2_ref, b2_ref, out_ref):
    c = jnp.dot(w_ref[...].astype(jnp.bfloat16), w1c_ref[...].astype(jnp.bfloat16),
                preferred_element_type=jnp.float32)
    y = c + g_ref[...] + b1_ref[...]
    h = y * jax.nn.sigmoid(y)
    s = lax.dot_general(w2_ref[...].astype(jnp.bfloat16), h.astype(jnp.bfloat16),
                        dimension_numbers=(((1,), (1,)), ((), ())),
                        preferred_element_type=jnp.float32)
    out_ref[0, 0, :] = s[0] + b2_ref[0]


def _mlp(w_ij, g, w1c, b1_row, w2_row, b2):
    out = pl.pallas_call(
        _mlp_body,
        grid=(_MLP_NB,),
        in_specs=[
            pl.BlockSpec((_MLP_BLK, F), lambda i: (i, 0)),
            pl.BlockSpec((_MLP_BLK, F), lambda i: (i, 0)),
            pl.BlockSpec((F, F), lambda i: (0, 0)),
            pl.BlockSpec((1, F), lambda i: (0, 0)),
            pl.BlockSpec((1, F), lambda i: (0, 0)),
            pl.BlockSpec(memory_space=pltpu.SMEM),
        ],
        out_specs=pl.BlockSpec((1, 1, _MLP_BLK), lambda i: (i, 0, 0)),
        out_shape=jax.ShapeDtypeStruct((_MLP_NB, 1, _MLP_BLK), jnp.float32),
    )(w_ij, g, w1c, b1_row, w2_row, b2)
    return out.reshape(N_PAIRS)



def kernel(x, w_ij, idx_i, idx_j, W1, b1, W2, b2):
    w1a = W1[:F]
    w1b = W1[F:2 * F]
    w1c = W1[2 * F:]
    xa, xb = _premul(x, w1a, w1b)
    g = _make_gather_add()(xa, xb,
                           idx_i.astype(jnp.int32), idx_j.astype(jnp.int32))
    return _mlp(w_ij, g, w1c, b1.reshape(1, F), W2.reshape(1, F), b2)

# --- scband reference (transcript-rebuilt; emitter-appended) ---
"""Pipeline reference for scband-conv-attention-coefficients-49168785605370 (READ-ONLY COPY).

The authoritative reference and input builder live on the scoring server;
editing this copy changes nothing except your own understanding.
"""

import jax, jax.numpy as jnp
import numpy as np

N_NODES = 10000
N_PAIRS = 320000
F = 128


def setup_inputs(seed: int = 0) -> dict:
    key = jax.random.key(seed)
    ks = jax.random.split(key, 8)
    x = jax.random.normal(ks[0], (N_NODES, F), dtype=jnp.float32)
    w_ij = jax.random.normal(ks[1], (N_PAIRS, F), dtype=jnp.float32)
    idx_i = jax.random.randint(ks[2], (N_PAIRS,), 0, N_NODES, dtype=jnp.int64 if jax.config.jax_enable_x64 else jnp.int32)
    idx_j = jax.random.randint(ks[3], (N_PAIRS,), 0, N_NODES, dtype=jnp.int64 if jax.config.jax_enable_x64 else jnp.int32)
    # MLP params: Dense(3F -> F) with silu, then Dense(F -> 1), lecun-normal-ish init
    W1 = jax.random.normal(ks[4], (3 * F, F), dtype=jnp.float32) / np.sqrt(3 * F)
    b1 = jnp.zeros((F,), dtype=jnp.float32)
    W2 = jax.random.normal(ks[5], (F, 1), dtype=jnp.float32) / np.sqrt(F)
    b2 = jnp.zeros((1,), dtype=jnp.float32)
    return {"x": x, "w_ij": w_ij, "idx_i": idx_i, "idx_j": idx_j, "W1": W1, "b1": b1, "W2": W2, "b2": b2}


def reference(x, w_ij, idx_i, idx_j, W1, b1, W2, b2):
    # gather center and neighbor embeddings
    q_i = jnp.take(x, idx_i, axis=0)   # (n_pairs, F)
    k_j = jnp.take(x, idx_j, axis=0)   # (n_pairs, F)
    y = jnp.concatenate([q_i, k_j, w_ij], axis=-1)  # (n_pairs, 3F)
    # MLP(features=[F, 1], activation_fn=silu): Dense -> silu -> Dense
    h = jax.nn.silu(y @ W1 + b1)       # (n_pairs, F)
    out = (h @ W2 + b2).squeeze(axis=-1)  # (n_pairs,)
    return out

if __name__ == "__main__":
    import jax
    _d = setup_inputs()
    print(jax.jit(kernel)(*tuple(_d.values())))

</pallas_src>

<mosaic_0001>
#map = affine_map<(d0, d1) -> (0, 0)>
#map1 = affine_map<(d0, d1) -> (0)>
module attributes {stable_mosaic.version = 14 : i64} {
  func.func @_gather_add_body(%arg0: i32, %arg1: i32, %arg2: memref<10000x128xf32, #tpu.memory_space<hbm>>, %arg3: memref<10000x128xf32, #tpu.memory_space<hbm>>, %arg4: memref<320000xi32, #tpu.memory_space<hbm>>, %arg5: memref<320000xi32, #tpu.memory_space<hbm>>, %arg6: memref<320000x128xf32, #tpu.memory_space<hbm>>, %arg7: memref<10000xi32, #tpu.memory_space<vmem>>, %arg8: memref<10000xi32, #tpu.memory_space<vmem>>, %arg9: memref<128x128xf32, #tpu.memory_space<vmem>>, %arg10: memref<128x128xf32, #tpu.memory_space<vmem>>, %arg11: memref<128x128xf32, #tpu.memory_space<vmem>>, %arg12: memref<128x128xf32, #tpu.memory_space<vmem>>, %arg13: memref<128x128xf32, #tpu.memory_space<vmem>>, %arg14: memref<128x128xf32, #tpu.memory_space<vmem>>, %arg15: memref<16x128xf32, #tpu.memory_space<vmem>>, %arg16: memref<16x128xf32, #tpu.memory_space<vmem>>, %arg17: memref<!tpu.dma_semaphore, #tpu.memory_space<semaphore_mem>>, %arg18: memref<!tpu.dma_semaphore, #tpu.memory_space<semaphore_mem>>, %arg19: memref<!tpu.dma_semaphore, #tpu.memory_space<semaphore_mem>>, %arg20: memref<!tpu.dma_semaphore, #tpu.memory_space<semaphore_mem>>, %arg21: memref<!tpu.dma_semaphore, #tpu.memory_space<semaphore_mem>>, %arg22: memref<!tpu.dma_semaphore, #tpu.memory_space<semaphore_mem>>) attributes {dimension_semantics = [#tpu.dimension_semantics<core_parallel>, #tpu.dimension_semantics<subcore_parallel>], iteration_bounds = array<i64: 2, 16>, scalar_prefetch = 0 : i64, scratch_operands = 16 : i64, tpu.core_type = #tpu.core_type<sc_vector_subcore>, window_params = [{transform_indices = #map}, {transform_indices = #map}, {transform_indices = #map1}, {transform_indices = #map1}, {transform_indices = #map}]} {
    %mul3A = arith.constant 2 : i32
    %mul3A_0 = arith.muli %arg1, %mul3A : i32
    %add3A = arith.addi %mul3A_0, %arg0 : i32
    %mul3A_1 = arith.constant 10000 : i32
    %mul3A_2 = arith.muli %add3A, %mul3A_1 : i32
    "tpu.region"() ({
      %run_scoped3A = tpu.sem_alloc : memref<!tpu.dma_semaphore, #tpu.memory_space<semaphore_mem>>
      %dma_start3A_66 = tpu.memref_slice %arg4[%mul3A_2] : memref<320000xi32, #tpu.memory_space<hbm>> -> memref<10000xi32, #tpu.memory_space<hbm>>
      %dma_start3A_67 = tpu.memref_slice %arg4[%mul3A_2] : memref<320000xi32, #tpu.memory_space<hbm>> -> memref<10000xi32, #tpu.memory_space<hbm>>
      tpu.enqueue_dma source(%dma_start3A_67 : memref<10000xi32, #tpu.memory_space<hbm>>) target(%arg7 : memref<10000xi32, #tpu.memory_space<vmem>>) target_semaphore(%run_scoped3A : memref<!tpu.dma_semaphore, #tpu.memory_space<semaphore_mem>>)
      %dma_wait3A_68 = tpu.memref_slice %arg4[%mul3A_2] : memref<320000xi32, #tpu.memory_space<hbm>> -> memref<10000xi32, #tpu.memory_space<hbm>>
      %dma_wait3A_69 = tpu.memref_slice %arg4[%mul3A_2] : memref<320000xi32, #tpu.memory_space<hbm>> -> memref<10000xi32, #tpu.memory_space<hbm>>
      tpu.wait_dma2 semaphore(%run_scoped3A : memref<!tpu.dma_semaphore, #tpu.memory_space<semaphore_mem>>) src(%dma_wait3A_69 : memref<10000xi32, #tpu.memory_space<hbm>>) dst(%arg7 : memref<10000xi32, #tpu.memory_space<vmem>>)
      tpu.yield
    }) : () -> ()
    "tpu.region"() ({
      %run_scoped3A = tpu.sem_alloc : memref<!tpu.dma_semaphore, #tpu.memory_space<semaphore_mem>>
      %dma_start3A_66 = tpu.memref_slice %arg5[%mul3A_2] : memref<320000xi32, #tpu.memory_space<hbm>> -> memref<10000xi32, #tpu.memory_space<hbm>>
      %dma_start3A_67 = tpu.memref_slice %arg5[%mul3A_2] : memref<320000xi32, #tpu.memory_space<hbm>> -> memref<10000xi32, #tpu.memory_space<hbm>>
      tpu.enqueue_dma source(%dma_start3A_67 : memref<10000xi32, #tpu.memory_space<hbm>>) target(%arg8 : memref<10000xi32, #tpu.memory_space<vmem>>) target_semaphore(%run_scoped3A : memref<!tpu.dma_semaphore, #tpu.memory_space<semaphore_mem>>)
      %dma_wait3A_68 = tpu.memref_slice %arg5[%mul3A_2] : memref<320000xi32, #tpu.memory_space<hbm>> -> memref<10000xi32, #tpu.memory_space<hbm>>
      %dma_wait3A_69 = tpu.memref_slice %arg5[%mul3A_2] : memref<320000xi32, #tpu.memory_space<hbm>> -> memref<10000xi32, #tpu.memory_space<hbm>>
      tpu.wait_dma2 semaphore(%run_scoped3A : memref<!tpu.dma_semaphore, #tpu.memory_space<semaphore_mem>>) src(%dma_wait3A_69 : memref<10000xi32, #tpu.memory_space<hbm>>) dst(%arg8 : memref<10000xi32, #tpu.memory_space<vmem>>)
      tpu.yield
    }) : () -> ()
    %dma_start3A = arith.constant 9984 : i32
    %dma_start3A_3 = tpu.memref_slice %arg7[%dma_start3A] : memref<10000xi32, #tpu.memory_space<vmem>> -> memref<16xi32, #tpu.memory_space<vmem>>
    %dma_start3A_4 = arith.constant 0 : i32
    %dma_start3A_5 = arith.constant 0 : i32
    %dma_start3A_6 = tpu.memref_slice %arg2[%dma_start3A_4, %dma_start3A_5] : memref<10000x128xf32, #tpu.memory_space<hbm>> -> memref<10000x128xf32, #tpu.memory_space<hbm>>
    tpu.enqueue_indirect_dma source(%dma_start3A_6 : memref<10000x128xf32, #tpu.memory_space<hbm>>) target(%arg15 : memref<16x128xf32, #tpu.memory_space<vmem>>) offsets(%dma_start3A_3 : memref<16xi32, #tpu.memory_space<vmem>>) semaphore(%arg17 : memref<!tpu.dma_semaphore, #tpu.memory_space<semaphore_mem>>)
    %dma_start3A_7 = arith.constant 9984 : i32
    %dma_start3A_8 = tpu.memref_slice %arg8[%dma_start3A_7] : memref<10000xi32, #tpu.memory_space<vmem>> -> memref<16xi32, #tpu.memory_space<vmem>>
    %dma_start3A_9 = arith.constant 0 : i32
    %dma_start3A_10 = arith.constant 0 : i32
    %dma_start3A_11 = tpu.memref_slice %arg3[%dma_start3A_9, %dma_start3A_10] : memref<10000x128xf32, #tpu.memory_space<hbm>> -> memref<10000x128xf32, #tpu.memory_space<hbm>>
    tpu.enqueue_indirect_dma source(%dma_start3A_11 : memref<10000x128xf32, #tpu.memory_space<hbm>>) target(%arg16 : memref<16x128xf32, #tpu.memory_space<vmem>>) offsets(%dma_start3A_8 : memref<16xi32, #tpu.memory_space<vmem>>) semaphore(%arg18 : memref<!tpu.dma_semaphore, #tpu.memory_space<semaphore_mem>>)
    %dma_wait3A = arith.constant 9984 : i32
    %dma_wait3A_12 = tpu.memref_slice %arg7[%dma_wait3A] : memref<10000xi32, #tpu.memory_space<vmem>> -> memref<16xi32, #tpu.memory_space<vmem>>
    %dma_wait3A_13 = arith.constant 0 : i32
    %dma_wait3A_14 = arith.constant 0 : i32
    %dma_wait3A_15 = tpu.memref_slice %arg2[%dma_wait3A_13, %dma_wait3A_14] : memref<10000x128xf32, #tpu.memory_space<hbm>> -> memref<10000x128xf32, #tpu.memory_space<hbm>>
    tpu.wait_indirect_dma semaphore(%arg17 : memref<!tpu.dma_semaphore, #tpu.memory_space<semaphore_mem>>) src(%dma_wait3A_15 : memref<10000x128xf32, #tpu.memory_space<hbm>>) dst(%arg15 : memref<16x128xf32, #tpu.memory_space<vmem>>)
    %dma_wait3A_16 = arith.constant 9984 : i32
    %dma_wait3A_17 = tpu.memref_slice %arg8[%dma_wait3A_16] : memref<10000xi32, #tpu.memory_space<vmem>> -> memref<16xi32, #tpu.memory_space<vmem>>
    %dma_wait3A_18 = arith.constant 0 : i32
    %dma_wait3A_19 = arith.constant 0 : i32
    %dma_wait3A_20 = tpu.memref_slice %arg3[%dma_wait3A_18, %dma_wait3A_19] : memref<10000x128xf32, #tpu.memory_space<hbm>> -> memref<10000x128xf32, #tpu.memory_space<hbm>>
    tpu.wait_indirect_dma semaphore(%arg18 : memref<!tpu.dma_semaphore, #tpu.memory_space<semaphore_mem>>) src(%dma_wait3A_20 : memref<10000x128xf32, #tpu.memory_space<hbm>>) dst(%arg16 : memref<16x128xf32, #tpu.memory_space<vmem>>)
    %scan3A = arith.constant 0 : i32
    %scan3A_21 = arith.constant 0 : i32
    %scan3A_22 = arith.constant 16 : i32
    %scan3A_23 = arith.addi %scan3A_21, %scan3A_22 : i32
    %scan3A_24 = arith.constant 1 : i32
    scf.for %scan3A_66 = %scan3A_21 to %scan3A_23 step %scan3A_24  : i32 {
      %get3A = arith.index_cast %scan3A_66 : i32 to index
      %get3A_67 = arith.constant 0 : index
      %get3A_68 = tpu.vector_load %arg15[%get3A, %get3A_67] {strides = array<i32>} : memref<16x128xf32, #tpu.memory_space<vmem>>, vector<16xf32>,
      %get3A_69 = arith.index_cast %scan3A_66 : i32 to index
      %get3A_70 = arith.constant 0 : index
      %get3A_71 = tpu.vector_load %arg16[%get3A_69, %get3A_70] {strides = array<i32>} : memref<16x128xf32, #tpu.memory_space<vmem>>, vector<16xf32>,
      %add3A_72 = arith.addf %get3A_68, %get3A_71 : vector<16xf32>
      %swap3A = arith.index_cast %scan3A_66 : i32 to index
      %swap3A_73 = arith.constant 0 : index
      %swap3A_74 = tpu.vector_load %arg15[%swap3A, %swap3A_73] {strides = array<i32>} : memref<16x128xf32, #tpu.memory_space<vmem>>, vector<16xf32>,
      tpu.vector_store %arg15[%swap3A, %swap3A_73], %add3A_72 {strides = array<i32>} : memref<16x128xf32, #tpu.memory_space<vmem>>, vector<16xf32>,
      %get3A_75 = arith.index_cast %scan3A_66 : i32 to index
      %get3A_76 = arith.constant 16 : index
      %get3A_77 = tpu.vector_load %arg15[%get3A_75, %get3A_76] {strides = array<i32>} : memref<16x128xf32, #tpu.memory_space<vmem>>, vector<16xf32>,
      %get3A_78 = arith.index_cast %scan3A_66 : i32 to index
      %get3A_79 = arith.constant 16 : index
      %get3A_80 = tpu.vector_load %arg16[%get3A_78, %get3A_79] {strides = array<i32>} : memref<16x128xf32, #tpu.memory_space<vmem>>, vector<16xf32>,
      %add3A_81 = arith.addf %get3A_77, %get3A_80 : vector<16xf32>
      %swap3A_82 = arith.index_cast %scan3A_66 : i32 to index
      %swap3A_83 = arith.constant 16 : index
      %swap3A_84 = tpu.vector_load %arg15[%swap3A_82, %swap3A_83] {strides = array<i32>} : memref<16x128xf32, #tpu.memory_space<vmem>>, vector<16xf32>,
      tpu.vector_store %arg15[%swap3A_82, %swap3A_83], %add3A_81 {strides = array<i32>} : memref<16x128xf32, #tpu.memory_space<vmem>>, vector<16xf32>,
      %get3A_85 = arith.index_cast %scan3A_66 : i32 to index
      %get3A_86 = arith.constant 32 : index
      %get3A_87 = tpu.vector_load %arg15[%get3A_85, %get3A_86] {strides = array<i32>} : memref<16x128xf32, #tpu.memory_space<vmem>>, vector<16xf32>,
      %get3A_88 = arith.index_cast %scan3A_66 : i32 to index
      %get3A_89 = arith.constant 32 : index
      %get3A_90 = tpu.vector_load %arg16[%get3A_88, %get3A_89] {strides = array<i32>} : memref<16x128xf32, #tpu.memory_space<vmem>>, vector<16xf32>,
      %add3A_91 = arith.addf %get3A_87, %get3A_90 : vector<16xf32>
      %swap3A_92 = arith.index_cast %scan3A_66 : i32 to index
      %swap3A_93 = arith.constant 32 : index
      %swap3A_94 = tpu.vector_load %arg15[%swap3A_92, %swap3A_93] {strides = array<i32>} : memref<16x128xf32, #tpu.memory_space<vmem>>, vector<16xf32>,
      tpu.vector_store %arg15[%swap3A_92, %swap3A_93], %add3A_91 {strides = array<i32>} : memref<16x128xf32, #tpu.memory_space<vmem>>, vector<16xf32>,
      %get3A_95 = arith.index_cast %scan3A_66 : i32 to index
      %get3A_96 = arith.constant 48 : index
      %get3A_97 = tpu.vector_load %arg15[%get3A_95, %get3A_96] {strides = array<i32>} : memref<16x128xf32, #tpu.memory_space<vmem>>, vector<16xf32>,
      %get3A_98 = arith.index_cast %scan3A_66 : i32 to index
      %get3A_99 = arith.constant 48 : index
      %get3A_100 = tpu.vector_load %arg16[%get3A_98, %get3A_99] {strides = array<i32>} : memref<16x128xf32, #tpu.memory_space<vmem>>, vector<16xf32>,
      %add3A_101 = arith.addf %get3A_97, %get3A_100 : vector<16xf32>
      %swap3A_102 = arith.index_cast %scan3A_66 : i32 to index
      %swap3A_103 = arith.constant 48 : index
      %swap3A_104 = tpu.vector_load %arg15[%swap3A_102, %swap3A_103] {strides = array<i32>} : memref<16x128xf32, #tpu.memory_space<vmem>>, vector<16xf32>,
      tpu.vector_store %arg15[%swap3A_102, %swap3A_103], %add3A_101 {strides = array<i32>} : memref<16x128xf32, #tpu.memory_space<vmem>>, vector<16xf32>,
      %get3A_105 = arith.index_cast %scan3A_66 : i32 to index
      %get3A_106 = arith.constant 64 : index
      %get3A_107 = tpu.vector_load %arg15[%get3A_105, %get3A_106] {strides = array<i32>} : memref<16x128xf32, #tpu.memory_space<vmem>>, vector<16xf32>,
      %get3A_108 = arith.index_cast %scan3A_66 : i32 to index
      %get3A_109 = arith.constant 64 : index
      %get3A_110 = tpu.vector_load %arg16[%get3A_108, %get3A_109] {strides = array<i32>} : memref<16x128xf32, #tpu.memory_space<vmem>>, vector<16xf32>,
      %add3A_111 = arith.addf %get3A_107, %get3A_110 : vector<16xf32>
      %swap3A_112 = arith.index_cast %scan3A_66 : i32 to index
      %swap3A_113 = arith.constant 64 : index
      %swap3A_114 = tpu.vector_load %arg15[%swap3A_112, %swap3A_113] {strides = array<i32>} : memref<16x128xf32, #tpu.memory_space<vmem>>, vector<16xf32>,
      tpu.vector_store %arg15[%swap3A_112, %swap3A_113], %add3A_111 {strides = array<i32>} : memref<16x128xf32, #tpu.memory_space<vmem>>, vector<16xf32>,
      %get3A_115 = arith.index_cast %scan3A_66 : i32 to index
      %get3A_116 = arith.constant 80 : index
      %get3A_117 = tpu.vector_load %arg15[%get3A_115, %get3A_116] {strides = array<i32>} : memref<16x128xf32, #tpu.memory_space<vmem>>, vector<16xf32>,
      %get3A_118 = arith.index_cast %scan3A_66 : i32 to index
      %get3A_119 = arith.constant 80 : index
      %get3A_120 = tpu.vector_load %arg16[%get3A_118, %get3A_119] {strides = array<i32>} : memref<16x128xf32, #tpu.memory_space<vmem>>, vector<16xf32>,
      %add3A_121 = arith.addf %get3A_117, %get3A_120 : vector<16xf32>
      %swap3A_122 = arith.index_cast %scan3A_66 : i32 to index
      %swap3A_123 = arith.constant 80 : index
      %swap3A_124 = tpu.vector_load %arg15[%swap3A_122, %swap3A_123] {strides = array<i32>} : memref<16x128xf32, #tpu.memory_space<vmem>>, vector<16xf32>,
      tpu.vector_store %arg15[%swap3A_122, %swap3A_123], %add3A_121 {strides = array<i32>} : memref<16x128xf32, #tpu.memory_space<vmem>>, vector<16xf32>,
      %get3A_125 = arith.index_cast %scan3A_66 : i32 to index
      %get3A_126 = arith.constant 96 : index
      %get3A_127 = tpu.vector_load %arg15[%get3A_125, %get3A_126] {strides = array<i32>} : memref<16x128xf32, #tpu.memory_space<vmem>>, vector<16xf32>,
      %get3A_128 = arith.index_cast %scan3A_66 : i32 to index
      %get3A_129 = arith.constant 96 : index
      %get3A_130 = tpu.vector_load %arg16[%get3A_128, %get3A_129] {strides = array<i32>} : memref<16x128xf32, #tpu.memory_space<vmem>>, vector<16xf32>,
      %add3A_131 = arith.addf %get3A_127, %get3A_130 : vector<16xf32>
      %swap3A_132 = arith.index_cast %scan3A_66 : i32 to index
      %swap3A_133 = arith.constant 96 : index
      %swap3A_134 = tpu.vector_load %arg15[%swap3A_132, %swap3A_133] {strides = array<i32>} : memref<16x128xf32, #tpu.memory_space<vmem>>, vector<16xf32>,
      tpu.vector_store %arg15[%swap3A_132, %swap3A_133], %add3A_131 {strides = array<i32>} : memref<16x128xf32, #tpu.memory_space<vmem>>, vector<16xf32>,
      %get3A_135 = arith.index_cast %scan3A_66 : i32 to index
      %get3A_136 = arith.constant 112 : index
      %get3A_137 = tpu.vector_load %arg15[%get3A_135, %get3A_136] {strides = array<i32>} : memref<16x128xf32, #tpu.memory_space<vmem>>, vector<16xf32>,
      %get3A_138 = arith.index_cast %scan3A_66 : i32 to index
      %get3A_139 = arith.constant 112 : index
      %get3A_140 = tpu.vector_load %arg16[%get3A_138, %get3A_139] {strides = array<i32>} : memref<16x128xf32, #tpu.memory_space<vmem>>, vector<16xf32>,
      %add3A_141 = arith.addf %get3A_137, %get3A_140 : vector<16xf32>
      %swap3A_142 = arith.index_cast %scan3A_66 : i32 to index
      %swap3A_143 = arith.constant 112 : index
      %swap3A_144 = tpu.vector_load %arg15[%swap3A_142, %swap3A_143] {strides = array<i32>} : memref<16x128xf32, #tpu.memory_space<vmem>>, vector<16xf32>,
      tpu.vector_store %arg15[%swap3A_142, %swap3A_143], %add3A_141 {strides = array<i32>} : memref<16x128xf32, #tpu.memory_space<vmem>>, vector<16xf32>,
    }
    %scan3A_25 = arith.constant 16 : i32
    %add3A_26 = arith.constant 9984 : i32
    %add3A_27 = arith.addi %mul3A_2, %add3A_26 : i32
    "tpu.region"() ({
      %run_scoped3A = tpu.sem_alloc : memref<!tpu.dma_semaphore, #tpu.memory_space<semaphore_mem>>
      %dma_start3A_66 = arith.constant 0 : i32
      %dma_start3A_67 = tpu.memref_slice %arg6[%add3A_27, %dma_start3A_66] : memref<320000x128xf32, #tpu.memory_space<hbm>> -> memref<16x128xf32, #tpu.memory_space<hbm>>
      %dma_start3A_68 = arith.constant 0 : i32
      %dma_start3A_69 = tpu.memref_slice %arg6[%add3A_27, %dma_start3A_68] : memref<320000x128xf32, #tpu.memory_space<hbm>> -> memref<16x128xf32, #tpu.memory_space<hbm>>
      tpu.enqueue_dma source(%arg15 : memref<16x128xf32, #tpu.memory_space<vmem>>) target(%dma_start3A_69 : memref<16x128xf32, #tpu.memory_space<hbm>>) target_semaphore(%run_scoped3A : memref<!tpu.dma_semaphore, #tpu.memory_space<semaphore_mem>>)
      %dma_wait3A_70 = arith.constant 0 : i32
      %dma_wait3A_71 = tpu.memref_slice %arg6[%add3A_27, %dma_wait3A_70] : memref<320000x128xf32, #tpu.memory_space<hbm>> -> memref<16x128xf32, #tpu.memory_space<hbm>>
      %dma_wait3A_72 = arith.constant 0 : i32
      %dma_wait3A_73 = tpu.memref_slice %arg6[%add3A_27, %dma_wait3A_72] : memref<320000x128xf32, #tpu.memory_space<hbm>> -> memref<16x128xf32, #tpu.memory_space<hbm>>
      tpu.wait_dma2 semaphore(%run_scoped3A : memref<!tpu.dma_semaphore, #tpu.memory_space<semaphore_mem>>) src(%arg15 : memref<16x128xf32, #tpu.memory_space<vmem>>) dst(%dma_wait3A_73 : memref<16x128xf32, #tpu.memory_space<hbm>>)
      tpu.yield
    }) : () -> ()
    %dma_start3A_28 = arith.constant 0 : i32
    %dma_start3A_29 = tpu.memref_slice %arg7[%dma_start3A_28] : memref<10000xi32, #tpu.memory_space<vmem>> -> memref<128xi32, #tpu.memory_space<vmem>>
    %dma_start3A_30 = arith.constant 0 : i32
    %dma_start3A_31 = arith.constant 0 : i32
    %dma_start3A_32 = tpu.memref_slice %arg2[%dma_start3A_30, %dma_start3A_31] : memref<10000x128xf32, #tpu.memory_space<hbm>> -> memref<10000x128xf32, #tpu.memory_space<hbm>>
    tpu.enqueue_indirect_dma source(%dma_start3A_32 : memref<10000x128xf32, #tpu.memory_space<hbm>>) target(%arg9 : memref<128x128xf32, #tpu.memory_space<vmem>>) offsets(%dma_start3A_29 : memref<128xi32, #tpu.memory_space<vmem>>) semaphore(%arg17 : memref<!tpu.dma_semaphore, #tpu.memory_space<semaphore_mem>>)
    %dma_start3A_33 = arith.constant 0 : i32
    %dma_start3A_34 = tpu.memref_slice %arg8[%dma_start3A_33] : memref<10000xi32, #tpu.memory_space<vmem>> -> memref<128xi32, #tpu.memory_space<vmem>>
    %dma_start3A_35 = arith.constant 0 : i32
    %dma_start3A_36 = arith.constant 0 : i32
    %dma_start3A_37 = tpu.memref_slice %arg3[%dma_start3A_35, %dma_start3A_36] : memref<10000x128xf32, #tpu.memory_space<hbm>> -> memref<10000x128xf32, #tpu.memory_space<hbm>>
    tpu.enqueue_indirect_dma source(%dma_start3A_37 : memref<10000x128xf32, #tpu.memory_space<hbm>>) target(%arg10 : memref<128x128xf32, #tpu.memory_space<vmem>>) offsets(%dma_start3A_34 : memref<128xi32, #tpu.memory_space<vmem>>) semaphore(%arg18 : memref<!tpu.dma_semaphore, #tpu.memory_space<semaphore_mem>>)
    %dma_start3A_38 = arith.constant 128 : i32
    %dma_start3A_39 = tpu.memref_slice %arg7[%dma_start3A_38] : memref<10000xi32, #tpu.memory_space<vmem>> -> memref<128xi32, #tpu.memory_space<vmem>>
    %dma_start3A_40 = arith.constant 0 : i32
    %dma_start3A_41 = arith.constant 0 : i32
    %dma_start3A_42 = tpu.memref_slice %arg2[%dma_start3A_40, %dma_start3A_41] : memref<10000x128xf32, #tpu.memory_space<hbm>> -> memref<10000x128xf32, #tpu.memory_space<hbm>>
    tpu.enqueue_indirect_dma source(%dma_start3A_42 : memref<10000x128xf32, #tpu.memory_space<hbm>>) target(%arg12 : memref<128x128xf32, #tpu.memory_space<vmem>>) offsets(%dma_start3A_39 : memref<128xi32, #tpu.memory_space<vmem>>) semaphore(%arg20 : memref<!tpu.dma_semaphore, #tpu.memory_space<semaphore_mem>>)
    %dma_start3A_43 = arith.constant 128 : i32
    %dma_start3A_44 = tpu.memref_slice %arg8[%dma_start3A_43] : memref<10000xi32, #tpu.memory_space<vmem>> -> memref<128xi32, #tpu.memory_space<vmem>>
    %dma_start3A_45 = arith.constant 0 : i32
    %dma_start3A_46 = arith.constant 0 : i32
    %dma_start3A_47 = tpu.memref_slice %arg3[%dma_start3A_45, %dma_start3A_46] : memref<10000x128xf32, #tpu.memory_space<hbm>> -> memref<10000x128xf32, #tpu.memory_space<hbm>>
    tpu.enqueue_indirect_dma source(%dma_start3A_47 : memref<10000x128xf32, #tpu.memory_space<hbm>>) target(%arg13 : memref<128x128xf32, #tpu.memory_space<vmem>>) offsets(%dma_start3A_44 : memref<128xi32, #tpu.memory_space<vmem>>) semaphore(%arg21 : memref<!tpu.dma_semaphore, #tpu.memory_space<semaphore_mem>>)
    %scan3A_48 = arith.constant 0 : i32
    %scan3A_49 = arith.constant 0 : i32
    %scan3A_50 = arith.constant 39 : i32
    %scan3A_51 = arith.addi %scan3A_49, %scan3A_50 : i32
    %scan3A_52 = arith.constant 1 : i32
    scf.for %scan3A_66 = %scan3A_49 to %scan3A_51 step %scan3A_52  : i32 {
      %mul3A_67 = arith.constant 2 : i32
      %mul3A_68 = arith.muli %mul3A_67, %scan3A_66 : i32
      %dma_wait3A_69 = arith.constant 0 : i32
      %dma_wait3A_70 = arith.constant 0 : i32
      %dma_wait3A_71 = tpu.memref_slice %arg2[%dma_wait3A_69, %dma_wait3A_70] : memref<10000x128xf32, #tpu.memory_space<hbm>> -> memref<128x128xf32, #tpu.memory_space<hbm>>
      %dma_wait3A_72 = arith.constant 0 : i32
      %dma_wait3A_73 = arith.constant 0 : i32
      %dma_wait3A_74 = tpu.memref_slice %arg2[%dma_wait3A_72, %dma_wait3A_73] : memref<10000x128xf32, #tpu.memory_space<hbm>> -> memref<128x128xf32, #tpu.memory_space<hbm>>
      tpu.wait_dma2 semaphore(%arg17 : memref<!tpu.dma_semaphore, #tpu.memory_space<semaphore_mem>>) src(%dma_wait3A_74 : memref<128x128xf32, #tpu.memory_space<hbm>>) dst(%arg9 : memref<128x128xf32, #tpu.memory_space<vmem>>)
      %dma_wait3A_75 = arith.constant 0 : i32
      %dma_wait3A_76 = arith.constant 0 : i32
      %dma_wait3A_77 = tpu.memref_slice %arg2[%dma_wait3A_75, %dma_wait3A_76] : memref<10000x128xf32, #tpu.memory_space<hbm>> -> memref<128x128xf32, #tpu.memory_space<hbm>>
      %dma_wait3A_78 = arith.constant 0 : i32
      %dma_wait3A_79 = arith.constant 0 : i32
      %dma_wait3A_80 = tpu.memref_slice %arg2[%dma_wait3A_78, %dma_wait3A_79] : memref<10000x128xf32, #tpu.memory_space<hbm>> -> memref<128x128xf32, #tpu.memory_space<hbm>>
      tpu.wait_dma2 semaphore(%arg18 : memref<!tpu.dma_semaphore, #tpu.memory_space<semaphore_mem>>) src(%dma_wait3A_80 : memref<128x128xf32, #tpu.memory_space<hbm>>) dst(%arg10 : memref<128x128xf32, #tpu.memory_space<vmem>>)
      %gt3A = arith.constant 0 : i32
      %gt3A_81 = arith.cmpi sgt, %scan3A_66, %gt3A : i32
      %convert_element_type3A = arith.extui %gt3A_81 : i1 to i32
      %cond3A = arith.constant 0 : i32
      %cond3A_82 = arith.cmpi ne, %convert_element_type3A, %cond3A : i32
      scf.if %cond3A_82 {
        %dma_wait3A_143 = arith.constant 0 : i32
        %dma_wait3A_144 = arith.constant 0 : i32
        %dma_wait3A_145 = tpu.memref_slice %arg6[%dma_wait3A_143, %dma_wait3A_144] : memref<320000x128xf32, #tpu.memory_space<hbm>> -> memref<128x128xf32, #tpu.memory_space<hbm>>
        %dma_wait3A_146 = arith.constant 0 : i32
        %dma_wait3A_147 = arith.constant 0 : i32
        %dma_wait3A_148 = tpu.memref_slice %arg6[%dma_wait3A_146, %dma_wait3A_147] : memref<320000x128xf32, #tpu.memory_space<hbm>> -> memref<128x128xf32, #tpu.memory_space<hbm>>
        tpu.wait_dma2 semaphore(%arg19 : memref<!tpu.dma_semaphore, #tpu.memory_space<semaphore_mem>>) src(%arg11 : memref<128x128xf32, #tpu.memory_space<vmem>>) dst(%dma_wait3A_148 : memref<128x128xf32, #tpu.memory_space<hbm>>)
      } else {
      }
      %scan3A_83 = arith.constant 0 : i32
      %scan3A_84 = arith.constant 0 : i32
      %scan3A_85 = arith.constant 128 : i32
      %scan3A_86 = arith.addi %scan3A_84, %scan3A_85 : i32
      %scan3A_87 = arith.constant 1 : i32
      scf.for %scan3A_143 = %scan3A_84 to %scan3A_86 step %scan3A_87  : i32 {
        %get3A = arith.index_cast %scan3A_143 : i32 to index
        %get3A_144 = arith.constant 0 : index
        %get3A_145 = tpu.vector_load %arg9[%get3A, %get3A_144] {strides = array<i32>} : memref<128x128xf32, #tpu.memory_space<vmem>>, vector<16xf32>,
        %get3A_146 = arith.index_cast %scan3A_143 : i32 to index
        %get3A_147 = arith.constant 0 : index
        %get3A_148 = tpu.vector_load %arg10[%get3A_146, %get3A_147] {strides = array<i32>} : memref<128x128xf32, #tpu.memory_space<vmem>>, vector<16xf32>,
        %add3A_149 = arith.addf %get3A_145, %get3A_148 : vector<16xf32>
        %swap3A = arith.index_cast %scan3A_143 : i32 to index
        %swap3A_150 = arith.constant 0 : index
        %swap3A_151 = tpu.vector_load %arg11[%swap3A, %swap3A_150] {strides = array<i32>} : memref<128x128xf32, #tpu.memory_space<vmem>>, vector<16xf32>,
        tpu.vector_store %arg11[%swap3A, %swap3A_150], %add3A_149 {strides = array<i32>} : memref<128x128xf32, #tpu.memory_space<vmem>>, vector<16xf32>,
        %get3A_152 = arith.index_cast %scan3A_143 : i32 to index
        %get3A_153 = arith.constant 16 : index
        %get3A_154 = tpu.vector_load %arg9[%get3A_152, %get3A_153] {strides = array<i32>} : memref<128x128xf32, #tpu.memory_space<vmem>>, vector<16xf32>,
        %get3A_155 = arith.index_cast %scan3A_143 : i32 to index
        %get3A_156 = arith.constant 16 : index
        %get3A_157 = tpu.vector_load %arg10[%get3A_155, %get3A_156] {strides = array<i32>} : memref<128x128xf32, #tpu.memory_space<vmem>>, vector<16xf32>,
        %add3A_158 = arith.addf %get3A_154, %get3A_157 : vector<16xf32>
        %swap3A_159 = arith.index_cast %scan3A_143 : i32 to index
        %swap3A_160 = arith.constant 16 : index
        %swap3A_161 = tpu.vector_load %arg11[%swap3A_159, %swap3A_160] {strides = array<i32>} : memref<128x128xf32, #tpu.memory_space<vmem>>, vector<16xf32>,
        tpu.vector_store %arg11[%swap3A_159, %swap3A_160], %add3A_158 {strides = array<i32>} : memref<128x128xf32, #tpu.memory_space<vmem>>, vector<16xf32>,
        %get3A_162 = arith.index_cast %scan3A_143 : i32 to index
        %get3A_163 = arith.constant 32 : index
        %get3A_164 = tpu.vector_load %arg9[%get3A_162, %get3A_163] {strides = array<i32>} : memref<128x128xf32, #tpu.memory_space<vmem>>, vector<16xf32>,
        %get3A_165 = arith.index_cast %scan3A_143 : i32 to index
        %get3A_166 = arith.constant 32 : index
        %get3A_167 = tpu.vector_load %arg10[%get3A_165, %get3A_166] {strides = array<i32>} : memref<128x128xf32, #tpu.memory_space<vmem>>, vector<16xf32>,
        %add3A_168 = arith.addf %get3A_164, %get3A_167 : vector<16xf32>
        %swap3A_169 = arith.index_cast %scan3A_143 : i32 to index
        %swap3A_170 = arith.constant 32 : index
        %swap3A_171 = tpu.vector_load %arg11[%swap3A_169, %swap3A_170] {strides = array<i32>} : memref<128x128xf32, #tpu.memory_space<vmem>>, vector<16xf32>,
        tpu.vector_store %arg11[%swap3A_169, %swap3A_170], %add3A_168 {strides = array<i32>} : memref<128x128xf32, #tpu.memory_space<vmem>>, vector<16xf32>,
        %get3A_172 = arith.index_cast %scan3A_143 : i32 to index
        %get3A_173 = arith.constant 48 : index
        %get3A_174 = tpu.vector_load %arg9[%get3A_172, %get3A_173] {strides = array<i32>} : memref<128x128xf32, #tpu.memory_space<vmem>>, vector<16xf32>,
        %get3A_175 = arith.index_cast %scan3A_143 : i32 to index
        %get3A_176 = arith.constant 48 : index
        %get3A_177 = tpu.vector_load %arg10[%get3A_175, %get3A_176] {strides = array<i32>} : memref<128x128xf32, #tpu.memory_space<vmem>>, vector<16xf32>,
        %add3A_178 = arith.addf %get3A_174, %get3A_177 : vector<16xf32>
        %swap3A_179 = arith.index_cast %scan3A_143 : i32 to index
        %swap3A_180 = arith.constant 48 : index
        %swap3A_181 = tpu.vector_load %arg11[%swap3A_179, %swap3A_180] {strides = array<i32>} : memref<128x128xf32, #tpu.memory_space<vmem>>, vector<16xf32>,
        tpu.vector_store %arg11[%swap3A_179, %swap3A_180], %add3A_178 {strides = array<i32>} : memref<128x128xf32, #tpu.memory_space<vmem>>, vector<16xf32>,
        %get3A_182 = arith.index_cast %scan3A_143 : i32 to index
        %get3A_183 = arith.constant 64 : index
        %get3A_184 = tpu.vector_load %arg9[%get3A_182, %get3A_183] {strides = array<i32>} : memref<128x128xf32, #tpu.memory_space<vmem>>, vector<16xf32>,
        %get3A_185 = arith.index_cast %scan3A_143 : i32 to index
        %get3A_186 = arith.constant 64 : index
        %get3A_187 = tpu.vector_load %arg10[%get3A_185, %get3A_186] {strides = array<i32>} : memref<128x128xf32, #tpu.memory_space<vmem>>, vector<16xf32>,
        %add3A_188 = arith.addf %get3A_184, %get3A_187 : vector<16xf32>
        %swap3A_189 = arith.index_cast %scan3A_143 : i32 to index
        %swap3A_190 = arith.constant 64 : index
        %swap3A_191 = tpu.vector_load %arg11[%swap3A_189, %swap3A_190] {strides = array<i32>} : memref<128x128xf32, #tpu.memory_space<vmem>>, vector<16xf32>,
        tpu.vector_store %arg11[%swap3A_189, %swap3A_190], %add3A_188 {strides = array<i32>} : memref<128x128xf32, #tpu.memory_space<vmem>>, vector<16xf32>,
        %get3A_192 = arith.index_cast %scan3A_143 : i32 to index
        %get3A_193 = arith.constant 80 : index
        %get3A_194 = tpu.vector_load %arg9[%get3A_192, %get3A_193] {strides = array<i32>} : memref<128x128xf32, #tpu.memory_space<vmem>>, vector<16xf32>,
        %get3A_195 = arith.index_cast %scan3A_143 : i32 to index
        %get3A_196 = arith.constant 80 : index
        %get3A_197 = tpu.vector_load %arg10[%get3A_195, %get3A_196] {strides = array<i32>} : memref<128x128xf32, #tpu.memory_space<vmem>>, vector<16xf32>,
        %add3A_198 = arith.addf %get3A_194, %get3A_197 : vector<16xf32>
        %swap3A_199 = arith.index_cast %scan3A_143 : i32 to index
        %swap3A_200 = arith.constant 80 : index
        %swap3A_201 = tpu.vector_load %arg11[%swap3A_199, %swap3A_200] {strides = array<i32>} : memref<128x128xf32, #tpu.memory_space<vmem>>, vector<16xf32>,
        tpu.vector_store %arg11[%swap3A_199, %swap3A_200], %add3A_198 {strides = array<i32>} : memref<128x128xf32, #tpu.memory_space<vmem>>, vector<16xf32>,
        %get3A_202 = arith.index_cast %scan3A_143 : i32 to index
        %get3A_203 = arith.constant 96 : index
        %get3A_204 = tpu.vector_load %arg9[%get3A_202, %get3A_203] {strides = array<i32>} : memref<128x128xf32, #tpu.memory_space<vmem>>, vector<16xf32>,
        %get3A_205 = arith.index_cast %scan3A_143 : i32 to index
        %get3A_206 = arith.constant 96 : index
        %get3A_207 = tpu.vector_load %arg10[%get3A_205, %get3A_206] {strides = array<i32>} : memref<128x128xf32, #tpu.memory_space<vmem>>, vector<16xf32>,
        %add3A_208 = arith.addf %get3A_204, %get3A_207 : vector<16xf32>
        %swap3A_209 = arith.index_cast %scan3A_143 : i32 to index
        %swap3A_210 = arith.constant 96 : index
        %swap3A_211 = tpu.vector_load %arg11[%swap3A_209, %swap3A_210] {strides = array<i32>} : memref<128x128xf32, #tpu.memory_space<vmem>>, vector<16xf32>,
        tpu.vector_store %arg11[%swap3A_209, %swap3A_210], %add3A_208 {strides = array<i32>} : memref<128x128xf32, #tpu.memory_space<vmem>>, vector<16xf32>,
        %get3A_212 = arith.index_cast %scan3A_143 : i32 to index
        %get3A_213 = arith.constant 112 : index
        %get3A_214 = tpu.vector_load %arg9[%get3A_212, %get3A_213] {strides = array<i32>} : memref<128x128xf32, #tpu.memory_space<vmem>>, vector<16xf32>,
        %get3A_215 = arith.index_cast %scan3A_143 : i32 to index
        %get3A_216 = arith.constant 112 : index
        %get3A_217 = tpu.vector_load %arg10[%get3A_215, %get3A_216] {strides = array<i32>} : memref<128x128xf32, #tpu.memory_space<vmem>>, vector<16xf32>,
        %add3A_218 = arith.addf %get3A_214, %get3A_217 : vector<16xf32>
        %swap3A_219 = arith.index_cast %scan3A_143 : i32 to index
        %swap3A_220 = arith.constant 112 : index
        %swap3A_221 = tpu.vector_load %arg11[%swap3A_219, %swap3A_220] {strides = array<i32>} : memref<128x128xf32, #tpu.memory_space<vmem>>, vector<16xf32>,
        tpu.vector_store %arg11[%swap3A_219, %swap3A_220], %add3A_218 {strides = array<i32>} : memref<128x128xf32, #tpu.memory_space<vmem>>, vector<16xf32>,
      }
      %scan3A_88 = arith.constant 128 : i32
      %add3A_89 = arith.constant 2 : i32
      %add3A_90 = arith.addi %mul3A_68, %add3A_89 : i32
      %lt3A = arith.constant 78 : i32
      %lt3A_91 = arith.cmpi slt, %add3A_90, %lt3A : i32
      %convert_element_type3A_92 = arith.extui %lt3A_91 : i1 to i32
      %cond3A_93 = arith.constant 0 : i32
      %cond3A_94 = arith.cmpi ne, %convert_element_type3A_92, %cond3A_93 : i32
      scf.if %cond3A_94 {
        %add3A_143 = arith.constant 2 : i32
        %add3A_144 = arith.addi %mul3A_68, %add3A_143 : i32
        %mul3A_145 = arith.constant 128 : i32
        %mul3A_146 = arith.muli %add3A_144, %mul3A_145 : i32
        %dma_start3A_147 = tpu.memref_slice %arg7[%mul3A_146] : memref<10000xi32, #tpu.memory_space<vmem>> -> memref<128xi32, #tpu.memory_space<vmem>>
        %dma_start3A_148 = arith.constant 0 : i32
        %dma_start3A_149 = arith.constant 0 : i32
        %dma_start3A_150 = tpu.memref_slice %arg2[%dma_start3A_148, %dma_start3A_149] : memref<10000x128xf32, #tpu.memory_space<hbm>> -> memref<10000x128xf32, #tpu.memory_space<hbm>>
        tpu.enqueue_indirect_dma source(%dma_start3A_150 : memref<10000x128xf32, #tpu.memory_space<hbm>>) target(%arg9 : memref<128x128xf32, #tpu.memory_space<vmem>>) offsets(%dma_start3A_147 : memref<128xi32, #tpu.memory_space<vmem>>) semaphore(%arg17 : memref<!tpu.dma_semaphore, #tpu.memory_space<semaphore_mem>>)
        %dma_start3A_151 = tpu.memref_slice %arg8[%mul3A_146] : memref<10000xi32, #tpu.memory_space<vmem>> -> memref<128xi32, #tpu.memory_space<vmem>>
        %dma_start3A_152 = arith.constant 0 : i32
        %dma_start3A_153 = arith.constant 0 : i32
        %dma_start3A_154 = tpu.memref_slice %arg3[%dma_start3A_152, %dma_start3A_153] : memref<10000x128xf32, #tpu.memory_space<hbm>> -> memref<10000x128xf32, #tpu.memory_space<hbm>>
        tpu.enqueue_indirect_dma source(%dma_start3A_154 : memref<10000x128xf32, #tpu.memory_space<hbm>>) target(%arg10 : memref<128x128xf32, #tpu.memory_space<vmem>>) offsets(%dma_start3A_151 : memref<128xi32, #tpu.memory_space<vmem>>) semaphore(%arg18 : memref<!tpu.dma_semaphore, #tpu.memory_space<semaphore_mem>>)
      } else {
      }
      %mul3A_95 = arith.constant 128 : i32
      %mul3A_96 = arith.muli %mul3A_68, %mul3A_95 : i32
      %add3A_97 = arith.addi %mul3A_2, %mul3A_96 : i32
      %dma_start3A_98 = arith.constant 0 : i32
      %dma_start3A_99 = tpu.memref_slice %arg6[%add3A_97, %dma_start3A_98] : memref<320000x128xf32, #tpu.memory_space<hbm>> -> memref<128x128xf32, #tpu.memory_space<hbm>>
      %dma_start3A_100 = arith.constant 0 : i32
      %dma_start3A_101 = tpu.memref_slice %arg6[%add3A_97, %dma_start3A_100] : memref<320000x128xf32, #tpu.memory_space<hbm>> -> memref<128x128xf32, #tpu.memory_space<hbm>>
      tpu.enqueue_dma source(%arg11 : memref<128x128xf32, #tpu.memory_space<vmem>>) target(%dma_start3A_101 : memref<128x128xf32, #tpu.memory_space<hbm>>) target_semaphore(%arg19 : memref<!tpu.dma_semaphore, #tpu.memory_space<semaphore_mem>>)
      %mul3A_102 = arith.constant 2 : i32
      %mul3A_103 = arith.muli %mul3A_102, %scan3A_66 : i32
      %add3A_104 = arith.constant 1 : i32
      %add3A_105 = arith.addi %mul3A_103, %add3A_104 : i32
      %dma_wait3A_106 = arith.constant 0 : i32
      %dma_wait3A_107 = arith.constant 0 : i32
      %dma_wait3A_108 = tpu.memref_slice %arg2[%dma_wait3A_106, %dma_wait3A_107] : memref<10000x128xf32, #tpu.memory_space<hbm>> -> memref<128x128xf32, #tpu.memory_space<hbm>>
      %dma_wait3A_109 = arith.constant 0 : i32
      %dma_wait3A_110 = arith.constant 0 : i32
      %dma_wait3A_111 = tpu.memref_slice %arg2[%dma_wait3A_109, %dma_wait3A_110] : memref<10000x128xf32, #tpu.memory_space<hbm>> -> memref<128x128xf32, #tpu.memory_space<hbm>>
      tpu.wait_dma2 semaphore(%arg20 : memref<!tpu.dma_semaphore, #tpu.memory_space<semaphore_mem>>) src(%dma_wait3A_111 : memref<128x128xf32, #tpu.memory_space<hbm>>) dst(%arg12 : memref<128x128xf32, #tpu.memory_space<vmem>>)
      %dma_wait3A_112 = arith.constant 0 : i32
      %dma_wait3A_113 = arith.constant 0 : i32
      %dma_wait3A_114 = tpu.memref_slice %arg2[%dma_wait3A_112, %dma_wait3A_113] : memref<10000x128xf32, #tpu.memory_space<hbm>> -> memref<128x128xf32, #tpu.memory_space<hbm>>
      %dma_wait3A_115 = arith.constant 0 : i32
      %dma_wait3A_116 = arith.constant 0 : i32
      %dma_wait3A_117 = tpu.memref_slice %arg2[%dma_wait3A_115, %dma_wait3A_116] : memref<10000x128xf32, #tpu.memory_space<hbm>> -> memref<128x128xf32, #tpu.memory_space<hbm>>
      tpu.wait_dma2 semaphore(%arg21 : memref<!tpu.dma_semaphore, #tpu.memory_space<semaphore_mem>>) src(%dma_wait3A_117 : memref<128x128xf32, #tpu.memory_space<hbm>>) dst(%arg13 : memref<128x128xf32, #tpu.memory_space<vmem>>)
      %gt3A_118 = arith.constant 0 : i32
      %gt3A_119 = arith.cmpi sgt, %scan3A_66, %gt3A_118 : i32
      %convert_element_type3A_120 = arith.extui %gt3A_119 : i1 to i32
      %cond3A_121 = arith.constant 0 : i32
      %cond3A_122 = arith.cmpi ne, %convert_element_type3A_120, %cond3A_121 : i32
      scf.if %cond3A_122 {
        %dma_wait3A_143 = arith.constant 0 : i32
        %dma_wait3A_144 = arith.constant 0 : i32
        %dma_wait3A_145 = tpu.memref_slice %arg6[%dma_wait3A_143, %dma_wait3A_144] : memref<320000x128xf32, #tpu.memory_space<hbm>> -> memref<128x128xf32, #tpu.memory_space<hbm>>
        %dma_wait3A_146 = arith.constant 0 : i32
        %dma_wait3A_147 = arith.constant 0 : i32
        %dma_wait3A_148 = tpu.memref_slice %arg6[%dma_wait3A_146, %dma_wait3A_147] : memref<320000x128xf32, #tpu.memory_space<hbm>> -> memref<128x128xf32, #tpu.memory_space<hbm>>
        tpu.wait_dma2 semaphore(%arg22 : memref<!tpu.dma_semaphore, #tpu.memory_space<semaphore_mem>>) src(%arg14 : memref<128x128xf32, #tpu.memory_space<vmem>>) dst(%dma_wait3A_148 : memref<128x128xf32, #tpu.memory_space<hbm>>)
      } else {
      }
      %scan3A_123 = arith.constant 0 : i32
      %scan3A_124 = arith.constant 0 : i32
      %scan3A_125 = arith.constant 128 : i32
      %scan3A_126 = arith.addi %scan3A_124, %scan3A_125 : i32
      %scan3A_127 = arith.constant 1 : i32
      scf.for %scan3A_143 = %scan3A_124 to %scan3A_126 step %scan3A_127  : i32 {
        %get3A = arith.index_cast %scan3A_143 : i32 to index
        %get3A_144 = arith.constant 0 : index
        %get3A_145 = tpu.vector_load %arg12[%get3A, %get3A_144] {strides = array<i32>} : memref<128x128xf32, #tpu.memory_space<vmem>>, vector<16xf32>,
        %get3A_146 = arith.index_cast %scan3A_143 : i32 to index
        %get3A_147 = arith.constant 0 : index
        %get3A_148 = tpu.vector_load %arg13[%get3A_146, %get3A_147] {strides = array<i32>} : memref<128x128xf32, #tpu.memory_space<vmem>>, vector<16xf32>,
        %add3A_149 = arith.addf %get3A_145, %get3A_148 : vector<16xf32>
        %swap3A = arith.index_cast %scan3A_143 : i32 to index
        %swap3A_150 = arith.constant 0 : index
        %swap3A_151 = tpu.vector_load %arg14[%swap3A, %swap3A_150] {strides = array<i32>} : memref<128x128xf32, #tpu.memory_space<vmem>>, vector<16xf32>,
        tpu.vector_store %arg14[%swap3A, %swap3A_150], %add3A_149 {strides = array<i32>} : memref<128x128xf32, #tpu.memory_space<vmem>>, vector<16xf32>,
        %get3A_152 = arith.index_cast %scan3A_143 : i32 to index
        %get3A_153 = arith.constant 16 : index
        %get3A_154 = tpu.vector_load %arg12[%get3A_152, %get3A_153] {strides = array<i32>} : memref<128x128xf32, #tpu.memory_space<vmem>>, vector<16xf32>,
        %get3A_155 = arith.index_cast %scan3A_143 : i32 to index
        %get3A_156 = arith.constant 16 : index
        %get3A_157 = tpu.vector_load %arg13[%get3A_155, %get3A_156] {strides = array<i32>} : memref<128x128xf32, #tpu.memory_space<vmem>>, vector<16xf32>,
        %add3A_158 = arith.addf %get3A_154, %get3A_157 : vector<16xf32>
        %swap3A_159 = arith.index_cast %scan3A_143 : i32 to index
        %swap3A_160 = arith.constant 16 : index
        %swap3A_161 = tpu.vector_load %arg14[%swap3A_159, %swap3A_160] {strides = array<i32>} : memref<128x128xf32, #tpu.memory_space<vmem>>, vector<16xf32>,
        tpu.vector_store %arg14[%swap3A_159, %swap3A_160], %add3A_158 {strides = array<i32>} : memref<128x128xf32, #tpu.memory_space<vmem>>, vector<16xf32>,
        %get3A_162 = arith.index_cast %scan3A_143 : i32 to index
        %get3A_163 = arith.constant 32 : index
        %get3A_164 = tpu.vector_load %arg12[%get3A_162, %get3A_163] {strides = array<i32>} : memref<128x128xf32, #tpu.memory_space<vmem>>, vector<16xf32>,
        %get3A_165 = arith.index_cast %scan3A_143 : i32 to index
        %get3A_166 = arith.constant 32 : index
        %get3A_167 = tpu.vector_load %arg13[%get3A_165, %get3A_166] {strides = array<i32>} : memref<128x128xf32, #tpu.memory_space<vmem>>, vector<16xf32>,
        %add3A_168 = arith.addf %get3A_164, %get3A_167 : vector<16xf32>
        %swap3A_169 = arith.index_cast %scan3A_143 : i32 to index
        %swap3A_170 = arith.constant 32 : index
        %swap3A_171 = tpu.vector_load %arg14[%swap3A_169, %swap3A_170] {strides = array<i32>} : memref<128x128xf32, #tpu.memory_space<vmem>>, vector<16xf32>,
        tpu.vector_store %arg14[%swap3A_169, %swap3A_170], %add3A_168 {strides = array<i32>} : memref<128x128xf32, #tpu.memory_space<vmem>>, vector<16xf32>,
        %get3A_172 = arith.index_cast %scan3A_143 : i32 to index
        %get3A_173 = arith.constant 48 : index
        %get3A_174 = tpu.vector_load %arg12[%get3A_172, %get3A_173] {strides = array<i32>} : memref<128x128xf32, #tpu.memory_space<vmem>>, vector<16xf32>,
        %get3A_175 = arith.index_cast %scan3A_143 : i32 to index
        %get3A_176 = arith.constant 48 : index
        %get3A_177 = tpu.vector_load %arg13[%get3A_175, %get3A_176] {strides = array<i32>} : memref<128x128xf32, #tpu.memory_space<vmem>>, vector<16xf32>,
        %add3A_178 = arith.addf %get3A_174, %get3A_177 : vector<16xf32>
        %swap3A_179 = arith.index_cast %scan3A_143 : i32 to index
        %swap3A_180 = arith.constant 48 : index
        %swap3A_181 = tpu.vector_load %arg14[%swap3A_179, %swap3A_180] {strides = array<i32>} : memref<128x128xf32, #tpu.memory_space<vmem>>, vector<16xf32>,
        tpu.vector_store %arg14[%swap3A_179, %swap3A_180], %add3A_178 {strides = array<i32>} : memref<128x128xf32, #tpu.memory_space<vmem>>, vector<16xf32>,
        %get3A_182 = arith.index_cast %scan3A_143 : i32 to index
        %get3A_183 = arith.constant 64 : index
        %get3A_184 = tpu.vector_load %arg12[%get3A_182, %get3A_183] {strides = array<i32>} : memref<128x128xf32, #tpu.memory_space<vmem>>, vector<16xf32>,
        %get3A_185 = arith.index_cast %scan3A_143 : i32 to index
        %get3A_186 = arith.constant 64 : index
        %get3A_187 = tpu.vector_load %arg13[%get3A_185, %get3A_186] {strides = array<i32>} : memref<128x128xf32, #tpu.memory_space<vmem>>, vector<16xf32>,
        %add3A_188 = arith.addf %get3A_184, %get3A_187 : vector<16xf32>
        %swap3A_189 = arith.index_cast %scan3A_143 : i32 to index
        %swap3A_190 = arith.constant 64 : index
        %swap3A_191 = tpu.vector_load %arg14[%swap3A_189, %swap3A_190] {strides = array<i32>} : memref<128x128xf32, #tpu.memory_space<vmem>>, vector<16xf32>,
        tpu.vector_store %arg14[%swap3A_189, %swap3A_190], %add3A_188 {strides = array<i32>} : memref<128x128xf32, #tpu.memory_space<vmem>>, vector<16xf32>,
        %get3A_192 = arith.index_cast %scan3A_143 : i32 to index
        %get3A_193 = arith.constant 80 : index
        %get3A_194 = tpu.vector_load %arg12[%get3A_192, %get3A_193] {strides = array<i32>} : memref<128x128xf32, #tpu.memory_space<vmem>>, vector<16xf32>,
        %get3A_195 = arith.index_cast %scan3A_143 : i32 to index
        %get3A_196 = arith.constant 80 : index
        %get3A_197 = tpu.vector_load %arg13[%get3A_195, %get3A_196] {strides = array<i32>} : memref<128x128xf32, #tpu.memory_space<vmem>>, vector<16xf32>,
        %add3A_198 = arith.addf %get3A_194, %get3A_197 : vector<16xf32>
        %swap3A_199 = arith.index_cast %scan3A_143 : i32 to index
        %swap3A_200 = arith.constant 80 : index
        %swap3A_201 = tpu.vector_load %arg14[%swap3A_199, %swap3A_200] {strides = array<i32>} : memref<128x128xf32, #tpu.memory_space<vmem>>, vector<16xf32>,
        tpu.vector_store %arg14[%swap3A_199, %swap3A_200], %add3A_198 {strides = array<i32>} : memref<128x128xf32, #tpu.memory_space<vmem>>, vector<16xf32>,
        %get3A_202 = arith.index_cast %scan3A_143 : i32 to index
        %get3A_203 = arith.constant 96 : index
        %get3A_204 = tpu.vector_load %arg12[%get3A_202, %get3A_203] {strides = array<i32>} : memref<128x128xf32, #tpu.memory_space<vmem>>, vector<16xf32>,
        %get3A_205 = arith.index_cast %scan3A_143 : i32 to index
        %get3A_206 = arith.constant 96 : index
        %get3A_207 = tpu.vector_load %arg13[%get3A_205, %get3A_206] {strides = array<i32>} : memref<128x128xf32, #tpu.memory_space<vmem>>, vector<16xf32>,
        %add3A_208 = arith.addf %get3A_204, %get3A_207 : vector<16xf32>
        %swap3A_209 = arith.index_cast %scan3A_143 : i32 to index
        %swap3A_210 = arith.constant 96 : index
        %swap3A_211 = tpu.vector_load %arg14[%swap3A_209, %swap3A_210] {strides = array<i32>} : memref<128x128xf32, #tpu.memory_space<vmem>>, vector<16xf32>,
        tpu.vector_store %arg14[%swap3A_209, %swap3A_210], %add3A_208 {strides = array<i32>} : memref<128x128xf32, #tpu.memory_space<vmem>>, vector<16xf32>,
        %get3A_212 = arith.index_cast %scan3A_143 : i32 to index
        %get3A_213 = arith.constant 112 : index
        %get3A_214 = tpu.vector_load %arg12[%get3A_212, %get3A_213] {strides = array<i32>} : memref<128x128xf32, #tpu.memory_space<vmem>>, vector<16xf32>,
        %get3A_215 = arith.index_cast %scan3A_143 : i32 to index
        %get3A_216 = arith.constant 112 : index
        %get3A_217 = tpu.vector_load %arg13[%get3A_215, %get3A_216] {strides = array<i32>} : memref<128x128xf32, #tpu.memory_space<vmem>>, vector<16xf32>,
        %add3A_218 = arith.addf %get3A_214, %get3A_217 : vector<16xf32>
        %swap3A_219 = arith.index_cast %scan3A_143 : i32 to index
        %swap3A_220 = arith.constant 112 : index
        %swap3A_221 = tpu.vector_load %arg14[%swap3A_219, %swap3A_220] {strides = array<i32>} : memref<128x128xf32, #tpu.memory_space<vmem>>, vector<16xf32>,
        tpu.vector_store %arg14[%swap3A_219, %swap3A_220], %add3A_218 {strides = array<i32>} : memref<128x128xf32, #tpu.memory_space<vmem>>, vector<16xf32>,
      }
      %scan3A_128 = arith.constant 128 : i32
      %add3A_129 = arith.constant 2 : i32
      %add3A_130 = arith.addi %add3A_105, %add3A_129 : i32
      %lt3A_131 = arith.constant 78 : i32
      %lt3A_132 = arith.cmpi slt, %add3A_130, %lt3A_131 : i32
      %convert_element_type3A_133 = arith.extui %lt3A_132 : i1 to i32
      %cond3A_134 = arith.constant 0 : i32
      %cond3A_135 = arith.cmpi ne, %convert_element_type3A_133, %cond3A_134 : i32
      scf.if %cond3A_135 {
        %add3A_143 = arith.constant 2 : i32
        %add3A_144 = arith.addi %add3A_105, %add3A_143 : i32
        %mul3A_145 = arith.constant 128 : i32
        %mul3A_146 = arith.muli %add3A_144, %mul3A_145 : i32
        %dma_start3A_147 = tpu.memref_slice %arg7[%mul3A_146] : memref<10000xi32, #tpu.memory_space<vmem>> -> memref<128xi32, #tpu.memory_space<vmem>>
        %dma_start3A_148 = arith.constant 0 : i32
        %dma_start3A_149 = arith.constant 0 : i32
        %dma_start3A_150 = tpu.memref_slice %arg2[%dma_start3A_148, %dma_start3A_149] : memref<10000x128xf32, #tpu.memory_space<hbm>> -> memref<10000x128xf32, #tpu.memory_space<hbm>>
        tpu.enqueue_indirect_dma source(%dma_start3A_150 : memref<10000x128xf32, #tpu.memory_space<hbm>>) target(%arg12 : memref<128x128xf32, #tpu.memory_space<vmem>>) offsets(%dma_start3A_147 : memref<128xi32, #tpu.memory_space<vmem>>) semaphore(%arg20 : memref<!tpu.dma_semaphore, #tpu.memory_space<semaphore_mem>>)
        %dma_start3A_151 = tpu.memref_slice %arg8[%mul3A_146] : memref<10000xi32, #tpu.memory_space<vmem>> -> memref<128xi32, #tpu.memory_space<vmem>>
        %dma_start3A_152 = arith.constant 0 : i32
        %dma_start3A_153 = arith.constant 0 : i32
        %dma_start3A_154 = tpu.memref_slice %arg3[%dma_start3A_152, %dma_start3A_153] : memref<10000x128xf32, #tpu.memory_space<hbm>> -> memref<10000x128xf32, #tpu.memory_space<hbm>>
        tpu.enqueue_indirect_dma source(%dma_start3A_154 : memref<10000x128xf32, #tpu.memory_space<hbm>>) target(%arg13 : memref<128x128xf32, #tpu.memory_space<vmem>>) offsets(%dma_start3A_151 : memref<128xi32, #tpu.memory_space<vmem>>) semaphore(%arg21 : memref<!tpu.dma_semaphore, #tpu.memory_space<semaphore_mem>>)
      } else {
      }
      %mul3A_136 = arith.constant 128 : i32
      %mul3A_137 = arith.muli %add3A_105, %mul3A_136 : i32
      %add3A_138 = arith.addi %mul3A_2, %mul3A_137 : i32
      %dma_start3A_139 = arith.constant 0 : i32
      %dma_start3A_140 = tpu.memref_slice %arg6[%add3A_138, %dma_start3A_139] : memref<320000x128xf32, #tpu.memory_space<hbm>> -> memref<128x128xf32, #tpu.memory_space<hbm>>
      %dma_start3A_141 = arith.constant 0 : i32
      %dma_start3A_142 = tpu.memref_slice %arg6[%add3A_138, %dma_start3A_141] : memref<320000x128xf32, #tpu.memory_space<hbm>> -> memref<128x128xf32, #tpu.memory_space<hbm>>
      tpu.enqueue_dma source(%arg14 : memref<128x128xf32, #tpu.memory_space<vmem>>) target(%dma_start3A_142 : memref<128x128xf32, #tpu.memory_space<hbm>>) target_semaphore(%arg22 : memref<!tpu.dma_semaphore, #tpu.memory_space<semaphore_mem>>)
    }
    %scan3A_53 = arith.constant 39 : i32
    %dma_wait3A_54 = arith.constant 0 : i32
    %dma_wait3A_55 = arith.constant 0 : i32
    %dma_wait3A_56 = tpu.memref_slice %arg6[%dma_wait3A_54, %dma_wait3A_55] : memref<320000x128xf32, #tpu.memory_space<hbm>> -> memref<128x128xf32, #tpu.memory_space<hbm>>
    %dma_wait3A_57 = arith.constant 0 : i32
    %dma_wait3A_58 = arith.constant 0 : i32
    %dma_wait3A_59 = tpu.memref_slice %arg6[%dma_wait3A_57, %dma_wait3A_58] : memref<320000x128xf32, #tpu.memory_space<hbm>> -> memref<128x128xf32, #tpu.memory_space<hbm>>
    tpu.wait_dma2 semaphore(%arg19 : memref<!tpu.dma_semaphore, #tpu.memory_space<semaphore_mem>>) src(%arg11 : memref<128x128xf32, #tpu.memory_space<vmem>>) dst(%dma_wait3A_59 : memref<128x128xf32, #tpu.memory_space<hbm>>)
    %dma_wait3A_60 = arith.constant 0 : i32
    %dma_wait3A_61 = arith.constant 0 : i32
    %dma_wait3A_62 = tpu.memref_slice %arg6[%dma_wait3A_60, %dma_wait3A_61] : memref<320000x128xf32, #tpu.memory_space<hbm>> -> memref<128x128xf32, #tpu.memory_space<hbm>>
    %dma_wait3A_63 = arith.constant 0 : i32
    %dma_wait3A_64 = arith.constant 0 : i32
    %dma_wait3A_65 = tpu.memref_slice %arg6[%dma_wait3A_63, %dma_wait3A_64] : memref<320000x128xf32, #tpu.memory_space<hbm>> -> memref<128x128xf32, #tpu.memory_space<hbm>>
    tpu.wait_dma2 semaphore(%arg22 : memref<!tpu.dma_semaphore, #tpu.memory_space<semaphore_mem>>) src(%arg14 : memref<128x128xf32, #tpu.memory_space<vmem>>) dst(%dma_wait3A_65 : memref<128x128xf32, #tpu.memory_space<hbm>>)
    return
  }
}

module attributes {stable_mosaic.version = 14 : i64} {
  func.func @_mlp_body(%arg0: i32, %arg1: memref<2560x128xf32, #tpu.memory_space<vmem>>, %arg2: memref<2560x128xf32, #tpu.memory_space<vmem>>, %arg3: memref<128x128xf32, #tpu.memory_space<vmem>>, %arg4: memref<1x128xf32, #tpu.memory_space<vmem>>, %arg5: memref<1x128xf32, #tpu.memory_space<vmem>>, %arg6: memref<1xf32, #tpu.memory_space<smem>>, %arg7: memref<1x1x2560xf32, #tpu.memory_space<vmem>>) attributes {dimension_semantics = [#tpu.dimension_semantics<arbitrary>], iteration_bounds = array<i64: 125>, scalar_prefetch = 0 : i64, scratch_operands = 0 : i64, tpu.core_type = #tpu.core_type<tc>, window_params = [{transform_indices = @transform_0, window_bounds = array<i64: 2560, 128>}, {transform_indices = @transform_1, window_bounds = array<i64: 2560, 128>}, {pipeline_mode = #tpu.pipeline_mode<synchronous>, transform_indices = @transform_2, window_bounds = array<i64: 128, 128>}, {pipeline_mode = #tpu.pipeline_mode<synchronous>, transform_indices = @transform_3, window_bounds = array<i64: 1, 128>}, {pipeline_mode = #tpu.pipeline_mode<synchronous>, transform_indices = @transform_4, window_bounds = array<i64: 1, 128>}, {transform_indices = @transform_5, window_bounds = array<i64: 1>}, {transform_indices = @transform_6, window_bounds = array<i64: 1, 1, 2560>}]} {
    %get3A = arith.constant 0 : index
    %get3A_0 = arith.constant 0 : index
    %get3A_1 = vector.load %arg1[%get3A, %get3A_0] : memref<2560x128xf32, #tpu.memory_space<vmem>>, vector<2560x128xf32>
    %convert_element_type3A = arith.truncf %get3A_1 : vector<2560x128xf32> to vector<2560x128xbf16>
    %get3A_2 = arith.constant 0 : index
    %get3A_3 = arith.constant 0 : index
    %get3A_4 = vector.load %arg3[%get3A_2, %get3A_3] : memref<128x128xf32, #tpu.memory_space<vmem>>, vector<128x128xf32>
    %convert_element_type3A_5 = arith.truncf %get3A_4 : vector<128x128xf32> to vector<128x128xbf16>
    %dot_general3A = arith.constant dense<0.000000e+00> : vector<2560x128xf32>
    %dot_general3A_6 = tpu.matmul %convert_element_type3A, %convert_element_type3A_5, %dot_general3A {dimension_numbers = #tpu.dot_dimension_numbers<[1], [0], [0], [1], [0, 0, 1, 1], [], []>, transpose_lhs_hint = false} : vector<2560x128xbf16>, vector<128x128xbf16>, vector<2560x128xf32> -> vector<2560x128xf32>
    %get3A_7 = arith.constant 0 : index
    %get3A_8 = arith.constant 0 : index
    %get3A_9 = vector.load %arg2[%get3A_7, %get3A_8] : memref<2560x128xf32, #tpu.memory_space<vmem>>, vector<2560x128xf32>
    %add3A = arith.addf %dot_general3A_6, %get3A_9 : vector<2560x128xf32>
    %get3A_10 = arith.constant 0 : index
    %get3A_11 = arith.constant 0 : index
    %get3A_12 = vector.load %arg4[%get3A_10, %get3A_11] : memref<1x128xf32, #tpu.memory_space<vmem>>, vector<1x128xf32>
    %add3A_13 = vector.broadcast %get3A_12 : vector<1x128xf32> to vector<2560x128xf32>
    %add3A_14 = arith.addf %add3A, %add3A_13 : vector<2560x128xf32>
    %logistic3A = arith.negf %add3A_14 : vector<2560x128xf32>
    %logistic3A_15 = math.exp %logistic3A : vector<2560x128xf32>
    %logistic3A_16 = arith.constant 1.000000e+00 : f32
    %logistic3A_17 = vector.broadcast %logistic3A_16 : f32 to vector<2560x128xf32>
    %logistic3A_18 = arith.addf %logistic3A_17, %logistic3A_15 : vector<2560x128xf32>
    %logistic3A_19 = arith.divf %logistic3A_17, %logistic3A_18 : vector<2560x128xf32>
    %mul3A = arith.mulf %add3A_14, %logistic3A_19 : vector<2560x128xf32>
    %get3A_20 = arith.constant 0 : index
    %get3A_21 = arith.constant 0 : index
    %get3A_22 = vector.load %arg5[%get3A_20, %get3A_21] : memref<1x128xf32, #tpu.memory_space<vmem>>, vector<1x128xf32>
    %convert_element_type3A_23 = arith.truncf %get3A_22 : vector<1x128xf32> to vector<1x128xbf16>
    %convert_element_type3A_24 = arith.truncf %mul3A : vector<2560x128xf32> to vector<2560x128xbf16>
    %dot_general3A_25 = arith.constant dense<0.000000e+00> : vector<1x2560xf32>
    %dot_general3A_26 = tpu.matmul %convert_element_type3A_23, %convert_element_type3A_24, %dot_general3A_25 {dimension_numbers = #tpu.dot_dimension_numbers<[1], [1], [0], [0], [0, 0, 1, 0], [], []>, transpose_lhs_hint = false} : vector<1x128xbf16>, vector<2560x128xbf16>, vector<1x2560xf32> -> vector<1x2560xf32>
    %squeeze3A = vector.shape_cast %dot_general3A_26 : vector<1x2560xf32> to vector<2560xf32>
    %get3A_27 = arith.constant 0 : index
    %get3A_28 = memref.load %arg6[%get3A_27] : memref<1xf32, #tpu.memory_space<smem>>
    %add3A_29 = vector.broadcast %get3A_28 : f32 to vector<2560xf32>
    %add3A_30 = arith.addf %squeeze3A, %add3A_29 : vector<2560xf32>
    %swap3A = arith.constant 0 : index
    %swap3A_31 = arith.constant 0 : index
    %swap3A_32 = arith.constant 0 : index
    %swap3A_33 = vector.load %arg7[%swap3A, %swap3A_31, %swap3A_32] : memref<1x1x2560xf32, #tpu.memory_space<vmem>>, vector<1x1x2560xf32>
    %swap3A_34 = vector.shape_cast %swap3A_33 : vector<1x1x2560xf32> to vector<2560xf32>
    %swap3A_35 = vector.shape_cast %add3A_30 : vector<2560xf32> to vector<1x1x2560xf32>
    tpu.vector_store %arg7[%swap3A, %swap3A_31, %swap3A_32], %swap3A_35 {strides = array<i32>} : memref<1x1x2560xf32, #tpu.memory_space<vmem>>, vector<1x1x2560xf32>,
    return
  }
  func.func @transform_0(%arg0: i32) -> (i32, i32) {
    %c0_i32 = arith.constant 0 : i32
    %c0_i32_0 = arith.constant 0 : i32
    return %arg0, %c0_i32 : i32, i32
  }
  func.func @transform_1(%arg0: i32) -> (i32, i32) {
    %c0_i32 = arith.constant 0 : i32
    %c0_i32_0 = arith.constant 0 : i32
    return %arg0, %c0_i32 : i32, i32
  }
  func.func @transform_2(%arg0: i32) -> (i32, i32) {
    %c0_i32 = arith.constant 0 : i32
    %c0_i32_0 = arith.constant 0 : i32
    %c0_i32_1 = arith.constant 0 : i32
    return %c0_i32, %c0_i32_0 : i32, i32
  }
  func.func @transform_3(%arg0: i32) -> (i32, i32) {
    %c0_i32 = arith.constant 0 : i32
    %c0_i32_0 = arith.constant 0 : i32
    %c0_i32_1 = arith.constant 0 : i32
    return %c0_i32, %c0_i32_0 : i32, i32
  }
  func.func @transform_4(%arg0: i32) -> (i32, i32) {
    %c0_i32 = arith.constant 0 : i32
    %c0_i32_0 = arith.constant 0 : i32
    %c0_i32_1 = arith.constant 0 : i32
    return %c0_i32, %c0_i32_0 : i32, i32
  }
  func.func @transform_5(%arg0: i32) -> i32 {
    %c0_i32 = arith.constant 0 : i32
    %c0_i32_0 = arith.constant 0 : i32
    return %c0_i32 : i32
  }
  func.func @transform_6(%arg0: i32) -> (i32, i32, i32) {
    %c0_i32 = arith.constant 0 : i32
    %c0_i32_0 = arith.constant 0 : i32
    %c0_i32_1 = arith.constant 0 : i32
    return %arg0, %c0_i32, %c0_i32_0 : i32, i32, i32
  }
}

module attributes {stable_mosaic.version = 14 : i64} {
  func.func @_premul_body(%arg0: i32, %arg1: memref<1000x128xf32, #tpu.memory_space<vmem>>, %arg2: memref<128x128xf32, #tpu.memory_space<vmem>>, %arg3: memref<128x128xf32, #tpu.memory_space<vmem>>, %arg4: memref<1000x128xf32, #tpu.memory_space<vmem>>, %arg5: memref<1000x128xf32, #tpu.memory_space<vmem>>) attributes {dimension_semantics = [#tpu.dimension_semantics<arbitrary>], iteration_bounds = array<i64: 10>, scalar_prefetch = 0 : i64, scratch_operands = 0 : i64, tpu.core_type = #tpu.core_type<tc>, window_params = [{transform_indices = @transform_0, window_bounds = array<i64: 1000, 128>}, {pipeline_mode = #tpu.pipeline_mode<synchronous>, transform_indices = @transform_1, window_bounds = array<i64: 128, 128>}, {pipeline_mode = #tpu.pipeline_mode<synchronous>, transform_indices = @transform_2, window_bounds = array<i64: 128, 128>}, {transform_indices = @transform_3, window_bounds = array<i64: 1000, 128>}, {transform_indices = @transform_4, window_bounds = array<i64: 1000, 128>}]} {
    %get3A = arith.constant 0 : index
    %get3A_0 = arith.constant 0 : index
    %get3A_1 = vector.load %arg1[%get3A, %get3A_0] : memref<1000x128xf32, #tpu.memory_space<vmem>>, vector<1000x128xf32>
    %get3A_2 = arith.constant 0 : index
    %get3A_3 = arith.constant 0 : index
    %get3A_4 = vector.load %arg2[%get3A_2, %get3A_3] : memref<128x128xf32, #tpu.memory_space<vmem>>, vector<128x128xf32>
    %dot_general3A = arith.constant dense<0.000000e+00> : vector<1000x128xf32>
    %dot_general3A_5 = tpu.matmul %get3A_1, %get3A_4, %dot_general3A {dimension_numbers = #tpu.dot_dimension_numbers<[1], [0], [0], [1], [0, 0, 1, 1], [], []>, transpose_lhs_hint = false} : vector<1000x128xf32>, vector<128x128xf32>, vector<1000x128xf32> -> vector<1000x128xf32>
    %swap3A = arith.constant 0 : index
    %swap3A_6 = arith.constant 0 : index
    %swap3A_7 = vector.load %arg4[%swap3A, %swap3A_6] : memref<1000x128xf32, #tpu.memory_space<vmem>>, vector<1000x128xf32>
    tpu.vector_store %arg4[%swap3A, %swap3A_6], %dot_general3A_5 {strides = array<i32>} : memref<1000x128xf32, #tpu.memory_space<vmem>>, vector<1000x128xf32>,
    %get3A_8 = arith.constant 0 : index
    %get3A_9 = arith.constant 0 : index
    %get3A_10 = vector.load %arg3[%get3A_8, %get3A_9] : memref<128x128xf32, #tpu.memory_space<vmem>>, vector<128x128xf32>
    %dot_general3A_11 = arith.constant dense<0.000000e+00> : vector<1000x128xf32>
    %dot_general3A_12 = tpu.matmul %get3A_1, %get3A_10, %dot_general3A_11 {dimension_numbers = #tpu.dot_dimension_numbers<[1], [0], [0], [1], [0, 0, 1, 1], [], []>, transpose_lhs_hint = false} : vector<1000x128xf32>, vector<128x128xf32>, vector<1000x128xf32> -> vector<1000x128xf32>
    %swap3A_13 = arith.constant 0 : index
    %swap3A_14 = arith.constant 0 : index
    %swap3A_15 = vector.load %arg5[%swap3A_13, %swap3A_14] : memref<1000x128xf32, #tpu.memory_space<vmem>>, vector<1000x128xf32>
    tpu.vector_store %arg5[%swap3A_13, %swap3A_14], %dot_general3A_12 {strides = array<i32>} : memref<1000x128xf32, #tpu.memory_space<vmem>>, vector<1000x128xf32>,
    return
  }
  func.func @transform_0(%arg0: i32) -> (i32, i32) {
    %c0_i32 = arith.constant 0 : i32
    %c0_i32_0 = arith.constant 0 : i32
    return %arg0, %c0_i32 : i32, i32
  }
  func.func @transform_1(%arg0: i32) -> (i32, i32) {
    %c0_i32 = arith.constant 0 : i32
    %c0_i32_0 = arith.constant 0 : i32
    %c0_i32_1 = arith.constant 0 : i32
    return %c0_i32, %c0_i32_0 : i32, i32
  }
  func.func @transform_2(%arg0: i32) -> (i32, i32) {
    %c0_i32 = arith.constant 0 : i32
    %c0_i32_0 = arith.constant 0 : i32
    %c0_i32_1 = arith.constant 0 : i32
    return %c0_i32, %c0_i32_0 : i32, i32
  }
  func.func @transform_3(%arg0: i32) -> (i32, i32) {
    %c0_i32 = arith.constant 0 : i32
    %c0_i32_0 = arith.constant 0 : i32
    return %arg0, %c0_i32 : i32, i32
  }
  func.func @transform_4(%arg0: i32) -> (i32, i32) {
    %c0_i32 = arith.constant 0 : i32
    %c0_i32_0 = arith.constant 0 : i32
    return %arg0, %c0_i32 : i32, i32
  }
}

</mosaic_0001>

<sc_bundles>
// kernel: kernel.5.cloned.1.call-start
scs
__scs_entry_jumppad:
0x0: {  	(pc) =	sbr.rel $0x88, $3  }
0x1: {  	(tag) =	ssettag $0x0;
	lr =	simm.s32 $0x1  }
0x2: {  	[smem:$0x3F99] =	sst lr;
	_ =	strace $0xD0000000  }
0x3: {  	_ = 	snop  }
0x4: {  	_ = 	snop  }
0x5: {  	_ = 	snop  }
0x6: {  	_ = 	snop  }
0x7: {  	_ = 	snop  }
__scs_overlays_trampoline_lowered:
0x8: {  	[smem:$0x3FA8] =	sst s0  }
0x9: {  	[smem:$0x3FA9] =	sst s1  }
0xa: {  	[smem:$0x3FAA] =	sst s2  }
0xb: {  	[smem:$0x3FAB] =	sst s3  }
0xc: {  	[smem:$0x3FAC] =	sst s4  }
0xd: {  	[smem:$0x3FAD] =	sst s5  }
0xe: {  	[smem:$0x3FAE] =	sst s6  }
0xf: {  	[smem:$0x3FAF] =	sst s7  }
0x10: {  	[smem:$0x3FB0] =	sst s8  }
0x11: {  	[smem:$0x3FB1] =	sst s9;
	s0 =	simm.s32 @!p0 $0x0  }
0x12: {  	s1 =	sld [smem:$0x3F97];
	s0 =	simm.s32 @p0 $0x1  }
0x13: {  	[smem:$0x3FB2] =	sst s0;
	s0 =	simm.s32 @!p1 $0x0  }
0x14: {  	s2 =	sld [smem:$0x3F96];
	s0 =	simm.s32 @p1 $0x1  }
0x15: {  	[smem:$0x3FB3] =	sst s0;
	s0 =	simm.s32 @!p2 $0x0  }
0x16: {  	s3 =	sld [smem:$0x3FDB];
	s0 =	simm.s32 @p2 $0x1  }
0x17: {  	s4 =	simm.s32 $0x1BF5;
	[smem:$0x3FB5] =	sst s0  }
0x18: {  	s0 =	sld [smem:$0x3F98];
	_ =	swait.ge [sflag:s4], $0x0  }
0x19: {  	s7 =	sld [smem:$0x3F99]  }
0x1a: {  	s8 =	sadd.s32 $0xFFFFE003, lr  }
0x1b: {  	s9 =	sadd.s32 $0xFFFFFEF7, lr;
	s5 =	simm.s32 $0xFFFFFFFF;
	p2 =	slt.u32 s8, $0xFFFFF086  }
0x1c: {  	p1 =	slt.u32 s9, $0xF7A;
	s5 =	simm.s32 @!p2 $0x0  }
0x1d: {  	s5 =	simm.s32 @p1 $0x1;
	p0 =	seq.s32 s7, s2  }
0x1e: {  	s7 =	smul.u32 @!p0 $0xF7A, s2;
	p2 =	seq.s32 @!p0 s5, $0x0  }
0x1f: {  	s9 =	smul.u32 $0xF7A, s1;
	s8 =	simm.s32 @!p0 $0x1BF5;
	p2 =	por !p2, p0  }
0x20: {  	[sflag:s8] =	ssyncset.s32 @!p0 $0xFFFFF086;
	s6 =	sadd.s32 @!p0 s3, s7;
	s7 =	simm.s32 @!p0 $0x108  }
0x21: {  	s3 =	sadd.s32 s3, s9;
	s6 =	sadd.s32 @!p0 $0x88, s6;
	s7 =	simm.s32 @p2 $0x1082  }
0x22: {  	[simem:s7], [sflag:s8] =	dma.local @!p0 [hbm:s6], $0xF7A  }
0x23: {  	s9 =	sor.u32 $0xD0000000, s2;
	s6 =	simm.s32 $0x108;
	_ =	swait.ge @!p0 [sflag:s8], $0x0  }
0x24: {  	s3 =	sadd.s32 $0x88, s3;
	s6 =	simm.s32 @!p1 $0x1082;
	[sflag:s4] =	ssyncset.s32 $0xFFFFF086  }
0x25: {  	[simem:s6], [sflag:s4] =	dma.local [hbm:s3], $0xF7A  }
0x26: {  	[smem:$0x3F99] =	sst s1;
	(tag) =	ssettag s2;
	_ =	strace s9  }
0x27: {  	s1 =	sld [smem:$0x3FA9]  }
0x28: {  	s2 =	sld [smem:$0x3FAA]  }
0x29: {  	s4 =	sld [smem:$0x3FAC]  }
0x2a: {  	p0 =	seq.s32 s5, $0x0;
	s5 =	sld [smem:$0x3FAD]  }
0x2b: {  	s6 =	sld [smem:$0x3FAE]  }
0x2c: {  	s7 =	sld [smem:$0x3FAF]  }
0x2d: {  	s3 =	simm.s32 $0x108;
	s8 =	sld [smem:$0x3FB0]  }
0x2e: {  	s3 =	simm.s32 @!p0 $0x1082;
	s9 =	sld [smem:$0x3FB1]  }
0x2f: {  	lr =	sadd.s32 s0, s3;
	s0 =	sld [smem:$0x3FA8]  }
0x30: {  	s3 =	sld [smem:$0x3FAB]  }
0x31: {  	[smem:$0x3FB4] =	sst s10  }
0x32: {  	s10 =	sld [smem:$0x3FB2];
	_ =	sdelay $0x3  }
0x33: {  	p0 =	seq.s32 s10, $0x1;
	s10 =	sld [smem:$0x3FB4];
	_ =	sdelay $0x3  }
0x34: {  	[smem:$0x3FB4] =	sst s10  }
0x35: {  	s10 =	sld [smem:$0x3FB3];
	_ =	sdelay $0x3  }
0x36: {  	p1 =	seq.s32 s10, $0x1;
	s10 =	sld [smem:$0x3FB4];
	_ =	sdelay $0x3  }
0x37: {  	[smem:$0x3FB4] =	sst s10  }
0x38: {  	s10 =	sld [smem:$0x3FB5]  }
0x39: {  	_ = 	snop;
	(pc) =	sbr.ind lr, $3  }
0x3a: {  	_ = 	snop  }
0x3b: {  	_ = 	snop  }
0x3c: {  	p2 =	seq.s32 s10, $0x1;
	s10 =	sld [smem:$0x3FB4]  }
0x3d: {  	_ =	shalt  }
0x3e: {  	_ =	shalt  }
0x3f: {  	_ =	shalt  }
0x40: {  	_ =	shalt  }
0x41: {  	_ =	shalt  }
0x42: {  	_ =	shalt  }
0x43: {  	_ =	shalt  }
0x44: {  	_ =	shalt  }
0x45: {  	_ =	shalt  }
0x46: {  	_ =	shalt  }
0x47: {  	_ =	shalt  }
0x48: {  	_ =	shalt  }
0x49: {  	_ =	shalt  }
0x4a: {  	_ =	shalt  }
0x4b: {  	_ =	shalt  }
0x4c: {  	_ =	shalt  }
0x4d: {  	_ =	shalt  }
0x4e: {  	_ =	shalt  }
0x4f: {  	_ =	shalt  }
0x50: {  	_ =	shalt  }
0x51: {  	_ =	shalt  }
0x52: {  	_ =	shalt  }
0x53: {  	_ =	shalt  }
0x54: {  	_ =	shalt  }
0x55: {  	_ =	shalt  }
0x56: {  	_ =	shalt  }
0x57: {  	_ =	shalt  }
0x58: {  	_ =	shalt  }
0x59: {  	_ =	shalt  }
0x5a: {  	_ =	shalt  }
0x5b: {  	_ =	shalt  }
0x5c: {  	_ =	shalt  }
0x5d: {  	_ =	shalt  }
0x5e: {  	_ =	shalt  }
0x5f: {  	_ =	shalt  }
0x60: {  	_ =	shalt  }
0x61: {  	_ =	shalt  }
0x62: {  	_ =	shalt  }
0x63: {  	_ =	shalt  }
0x64: {  	_ =	shalt  }
0x65: {  	_ =	shalt  }
0x66: {  	_ =	shalt  }
0x67: {  	_ =	shalt  }
0x68: {  	_ =	shalt  }
0x69: {  	_ =	shalt  }
0x6a: {  	_ =	shalt  }
0x6b: {  	_ =	shalt  }
0x6c: {  	_ =	shalt  }
0x6d: {  	_ =	shalt  }
0x6e: {  	_ =	shalt  }
0x6f: {  	_ =	shalt  }
0x70: {  	_ =	shalt  }
0x71: {  	_ =	shalt  }
0x72: {  	_ =	shalt  }
0x73: {  	_ =	shalt  }
0x74: {  	_ =	shalt  }
0x75: {  	_ =	shalt  }
0x76: {  	_ =	shalt  }
0x77: {  	_ =	shalt  }
0x78: {  	_ =	shalt  }
0x79: {  	_ =	shalt  }
0x7a: {  	_ =	shalt  }
0x7b: {  	_ =	shalt  }
0x7c: {  	_ =	shalt  }
0x7d: {  	_ =	shalt  }
0x7e: {  	_ =	shalt  }
0x7f: {  	_ =	shalt  }
0x80: {  	_ =	shalt  }
0x81: {  	_ =	shalt  }
0x82: {  	_ =	shalt  }
0x83: {  	_ =	shalt  }
0x84: {  	_ =	shalt  }
0x85: {  	_ =	shalt  }
0x86: {  	_ =	shalt  }
0x87: {  	_ =	shalt  }
.Lfunc_end0:
.L_simem_size_0:
called_computation_lowered:
.L_overlay_start_0:
0x88: {  	s2 =	sld [smem:$0x3FD9]  }
0x89: {  	s3 =	sld [smem:$0x3FFE];
	_ =	sdelay $0x1  }
0x8a: {  	s1 =	srdreg.scid  }
0x8b: {  	s0 =	sand.u32 $0x1, s1  }
0x8c: {  	s17 =	sshll.u32 s0, $0xA;
	s2 =	sadd.s32 s3, s2  }
0x8d: {  	s2 =	sadd.s32 s2, s17  }
0x8e: {  	[smem:$0x3FC0] =	sst s2  }
0x8f: {  	_ = 	snop  }
0x90: {  	s2 =	sld [smem:$0x3FC7]  }
0x91: {  	s18 =	sld [smem:$0x3FC6];
	(tm) =	ssettm $0x1  }
0x92: {  	s4 =	sld [smem:$0x3FFB];
	_ =	sdelay $0x3  }
0x93: {  	_ =	strace s4  }
0x94: {  	s4 =	sld [smem:$0x3FFC];
	_ =	sdelay $0x3  }
0x95: {  	_ =	strace s4  }
0x96: {  	s4 =	sld [smem:$0x3FFD];
	_ =	sdelay $0x3  }
0x97: {  	_ =	strace s4  }
0x98: {  	_ =	strace $0x8FFFFFFF  }
0x99: {  	s19 =	sld [smem:$0x3FDB];
	_ =	sdelay $0x1  }
0x9a: {  	s5 =	simm.s32 $_scs_section_size  }
0x9b: {  	s6 =	simm.s32 $_size__tile_overlayer_lowered;
	s7 =	simm.s32 $_tile_overlayer_lowered  }
0x9c: {  	s22 =	simm.s32 $0x1BFF;
	s21 =	sshll.u32 s7, $0x1;
	s4 =	sadd.s32 s5, s19  }
0x9d: {  	s8 =	simm.s32 $0x0;
	s20 =	sshll.u32 s6, $0x1;
	s6 =	sadd.s32 s21, s4  }
0x9e: {  	[timem:s8], [sflag:s22] =	dma.local [hbm:s6], s20  }
0x9f: {  	_ =	swait.ge [sflag:s22], s20  }
0xa0: {  	s5 =	ssub.s32 $0x0, s20;
	[sflag:s22] =	ssyncset.done $0x0  }
0xa1: {  	[sflag:s22] =	ssyncadd.s32 s5;
	_ =	sdelay $0x1  }
0xa2: {  	s23 =	simm.s32 $0x1B8B  }
0xa3: {  	_ =	swait.ge [sflag:s23], $0x1  }
0xa4: {  	[sflag:s23] =	ssyncset.done $0x0  }
0xa5: {  	s25 =	simm.s32 $0x1B8E;
	s24 =	sld [smem:$0x3FFE];
	[sflag:s23] =	ssyncadd.s32 $0xFFFFFFFF  }
0xa6: {  	s26 =	simm.s32 $execute0_lowered;
	[smem:$0x3FD2] =	sst s25  }
0xa7: {  	s6 =	sshll.u32 s26, $0x1;
	_ =	strace $0x80000046;
	[dreg:$0x1] =	wrdreg $0xFFFFFFFF  }
0xa8: {  	s28 =	simm.s32 $_size_execute0_lowered;
	s4 =	sadd.s32 s4, s6;
	[dreg:$0x0] =	wrdreg $0x0  }
0xa9: {  	s6 =	sshll.u32 s28, $0x1;
	[dreg:$0x2] =	wrdreg s4  }
0xaa: {  	[dreg:$0x3] =	wrdreg s6  }
0xab: {  	[dreg:$0x4] =	wrdreg $0xC0  }
0xac: {  	_ =	task [dreg:s8], $0x5FFFF  }
0xad: {  	[dreg:$0x1] =	wrdreg $0xFFFFFFFF  }
0xae: {  	[dreg:$0x0] =	wrdreg $0x60  }
0xaf: {  	[dreg:$0x2] =	wrdreg s24  }
0xb0: {  	[dreg:$0x3] =	wrdreg s2  }
0xb1: {  	[dreg:$0x4] =	wrdreg s18  }
0xb2: {  	[dreg:$0x5] =	wrdreg $0x9  }
0xb3: {  	_ =	task.clear_ibuf [dreg:s8], $0x6FFFF;
	_ =	strace $0x90000046  }
0xb4: {  	s29 =	simm.s32 $0x9;
	_ =	strace $0x80000048  }
0xb5: {  	_ =	swait.ge [sflag:s29], $0x1  }
0xb6: {  	[sflag:s29] =	ssyncadd.s32 $0xFFFFFFFF  }
0xb7: {  	_ =	strace $0x90000048  }
0xb8: {  	_ =	sfence  }
0xb9: {  	s30 =	sld [smem:$0x0];
	_ =	sdelay $0x2  }
0xba: {  	s31 =	sshll.u32 s1, $0xD;
	s1 =	sshrl.u32 s1, $0x2  }
0xbb: {  	s3 =	sand.u32 $0x4000, s31;
	s1 =	sadd.s32 s1, s30  }
0xbc: {  	s0 =	sor.u32 s3, s0;
	s1 =	sshll.u32 s1, $0x11  }
0xbd: {  	s0 =	sor.u32 s1, s0  }
0xbe: {  	s0 =	sadd.s32 $0x8F2B, s0  }
0xbf: {  	[sflag:s0] =	ssyncadd.remote.s32 $0x1  }
0xc0: {  	_ =	sfence.sel $0xFFFF  }
0xc1: {  	[dreg:$0x0] =	wrdreg $0xFFFFFFFF;
	(pc) =	sbr.abs _section_cstart, $3  }
0xc2: {  	[dreg:$0x1] =	wrdreg $0xFFFFFFFF  }
0xc3: {  	_ =	task.clear_ibuf [dreg:s8], $0x2FFFF;
	_ =	strace $0x9FFFFFFF  }
0xc4: {  	(tm) =	ssettm $0x7FFFFFFF  }
0xc5: {  	_ =	shalt  }
tec
execute0_lowered:
.L_overlay_start_1:
0x0: {  	(tag) =	ssettag $0x1  }
0x1: {  	s0 =	rddreg [dreg:$0x0]  }
0x2: {  	s1 =	rddreg [dreg:$0x1]  }
0x3: {  	s8 =	rddreg [dreg:$0x2];
	s2 =	simm.s32 $0x0  }
0x4: {  	s3 =	srdreg.scid;
	s4 =	stileid.u32;
	s12 =	simm.s32 $0x7  }
0x5: {  	s13 =	simm.s32 $0x2780;
	s14 =	simm.s32 $0x10;
	s16 =	simm.s32 $0x1CF00  }
0x6: {  	s19 =	simm.s32 $0x1;
	s20 =	simm.s32 $0x2;
	s21 =	simm.s32 $0x80  }
0x7: {  	s28 =	simm.s32 $0xCF00;
	s29 =	simm.s32 $0x4;
	s30 =	simm.s32 $0x5  }
0x8: {  	s31 =	simm.s32 $0x18F00;
	s6 =	sand.u32 $0x1, s3;
	s23 =	sshll.u32 s4, $0x1  }
0x9: {  	s15 =	simm.s32 $0x0;
	[smem:$0x7FF] =	sst s2;
	s7 =	sor.u32 s6, s23  }
0xa: {  	s3 =	sadd.s32 $0x1000, s0;
	s9 =	ssub.s32 $0x2, s6;
	s4 =	smul.u32 $0x138800, s7  }
0xb: {  	s5 =	sadd.s32 $0x28200, s0;
	s10 =	smul.u32 $0x2710, s7;
	s24 =	sshrl.u32 s9, $0x1  }
0xc: {  	_ =	strace $0x80000047;
	s6 =	sadd.s32 $0x4F400, s0;
	s0 =	ssub.s32 s9, s24  }
0xd: {  	s25 =	sshrl.u32 s4, $0x3;
	s26 =	sshrl.u32 s10, $0x3;
	s10 =	sadd.s32 $0x80, s10  }
0xe: {  	s11 =	sadd.s32 s6, s25;
	s7 =	sadd.s32 s1, s26;
	s8 =	sadd.s32 s8, s26  }
0xf: {  	s25 =	simm.s32 $0x2800;
	s26 =	simm.s32 $0x14F00;
	s1 =	simm.s32 $0x6  }
0x10: {  	s9 =	sadd.s32 $0x27000, s11;
	s11 =	smax.u32 s0, $0x1;
	s0 =	simm.s32 $0x3  }
.LBB2_1:
0x11: {  	[tilespmem:s2], [sflag:$0x7] =	stream.linear.gather [hbm4b:s7+s2], $0x2710, $0x38;
	[tilespmem:$0x1DF00] =	vst v63  }
0x12: {  	_ =	swait.ge [sflag:s12], $0x2710  }
0x13: {  	[sflag:s12] =	ssyncset.done $0x0  }
0x14: {  	[sflag:s12] =	ssyncadd.s32 $0xFFFFD8F0  }
0x15: {  	[tilespmem:s13], [sflag:$0x7] =	stream.linear.gather [hbm4b:s8+s2], $0x2710, $0x38;
	[tilespmem:$0x1DF00] =	vst v63  }
0x16: {  	_ =	swait.ge [sflag:s12], $0x2710  }
0x17: {  	[sflag:s12] =	ssyncset.done $0x0  }
0x18: {  	s17 =	simm.s32 $0x2700;
	[sflag:s12] =	ssyncadd.s32 $0xFFFFD8F0  }
0x19: {  	[tilespmem:s16], [sflag:$0x1] =	stream.indirect.gather [hbm4b:s3+s14], $0x80, s17, s14, $0xb8;
	[tilespmem:$0x1DF00] =	vst v63  }
0x1a: {  	s24 =	simm.s32 $0x4E80;
	s18 =	simm.s32 $0x1D700  }
0x1b: {  	[tilespmem:s18], [sflag:$0x2] =	stream.indirect.gather [hbm4b:s5+s14], $0x80, s24, s14, $0xb8;
	[tilespmem:$0x1DF00] =	vst v63  }
0x1c: {  	_ =	swait.ge [sflag:s19], $0x800  }
0x1d: {  	[sflag:s19] =	ssyncset.done $0x0  }
0x1e: {  	[sflag:s19] =	ssyncadd.s32 $0xFFFFF800  }
0x1f: {  	_ =	swait.ge [sflag:s20], $0x800  }
0x20: {  	[sflag:s20] =	ssyncset.done $0x0  }
0x21: {  	s17 =	simm.s32 $0x0;
	[sflag:s20] =	ssyncadd.s32 $0xFFFFF800  }
0x22: {  	v7 =	vld [tilespmem:s17+$0x1D700]  }
0x23: {  	v11 =	vld [tilespmem:s17+$0x1D710]  }
0x24: {  	v5 =	vld [tilespmem:s17+$0x1D720]  }
0x25: {  	v4 =	vld [tilespmem:s17+$0x1D730]  }
0x26: {  	v3 =	vld [tilespmem:s17+$0x1D740]  }
0x27: {  	v2 =	vld [tilespmem:s17+$0x1D750]  }
0x28: {  	v1 =	vld [tilespmem:s17+$0x1D760]  }
0x29: {  	v0 =	vld [tilespmem:s17+$0x1D770]  }
0x2a: {  	v12 =	vld [tilespmem:s17+$0x1CF00]  }
0x2b: {  	v13 =	vld [tilespmem:s17+$0x1CF10]  }
0x2c: {  	v10 =	vld [tilespmem:s17+$0x1CF20]  }
0x2d: {  	v9 =	vld [tilespmem:s17+$0x1CF30]  }
0x2e: {  	v8 =	vld [tilespmem:s17+$0x1CF40]  }
0x2f: {  	v6 =	vld [tilespmem:s17+$0x1CF50];
	v12 =	vadd.f32 v7, v12  }
0x30: {  	s18 =	simm.s32 $0x200;
	v11 =	vadd.f32 v11, v13;
	v7 =	vld [tilespmem:s17+$0x1CF60]  }
.LBB2_2:
0x31: {  	s22 =	sshra.s32 s18, $0x2;
	p0 =	sne.s32 s18, $0x1E00;
	[tilespmem:s17+$0x1CF00] =	vst v12;
	v5 =	vadd.f32 v5, v10;
	v10 =	vld [tilespmem:s17+$0x1CF70]  }
0x32: {  	v12 =	vld [tilespmem:s22+$0x1D700];
	[tilespmem:s17+$0x1CF10] =	vst v11;
	v4 =	vadd.f32 v4, v9  }
0x33: {  	v11 =	vld [tilespmem:s22+$0x1D710];
	[tilespmem:s17+$0x1CF20] =	vst v5;
	v3 =	vadd.f32 v3, v8  }
0x34: {  	v5 =	vld [tilespmem:s22+$0x1D720];
	[tilespmem:s17+$0x1CF30] =	vst v4;
	v2 =	vadd.f32 v2, v6  }
0x35: {  	v4 =	vld [tilespmem:s22+$0x1D730];
	[tilespmem:s17+$0x1CF40] =	vst v3;
	v1 =	vadd.f32 v1, v7  }
0x36: {  	v3 =	vld [tilespmem:s22+$0x1D740];
	[tilespmem:s17+$0x1CF50] =	vst v2;
	v0 =	vadd.f32 v0, v10  }
0x37: {  	v2 =	vld [tilespmem:s22+$0x1D750];
	[tilespmem:s17+$0x1CF60] =	vst v1  }
0x38: {  	v1 =	vld [tilespmem:s22+$0x1D760];
	[tilespmem:s17+$0x1CF70] =	vst v0;
	s17 =	smov.u32 s22  }
0x39: {  	v0 =	vld [tilespmem:s17+$0x1D770]  }
0x3a: {  	v6 =	vld [tilespmem:s17+$0x1CF00]  }
0x3b: {  	v7 =	vld [tilespmem:s17+$0x1CF10]  }
.Ltmp0:
0x3c: {  	v10 =	vld [tilespmem:s17+$0x1CF20];
	(pc) =	sbr.rel @p0 .LBB2_2-.Ltmp0, $4  }
0x3d: {  	v9 =	vld [tilespmem:s17+$0x1CF30]  }
0x3e: {  	v8 =	vld [tilespmem:s17+$0x1CF40]  }
0x3f: {  	v12 =	vadd.f32 v12, v6;
	v6 =	vld [tilespmem:s17+$0x1CF50]  }
0x40: {  	s18 =	sadd.s32 $0x200, s18;
	v11 =	vadd.f32 v11, v7;
	v7 =	vld [tilespmem:s17+$0x1CF60]  }
0x41: {  	[tilespmem:s17+$0x1CF00] =	vst v12;
	v5 =	vadd.f32 v5, v10;
	v63 =	vld [tilespmem:s17+$0x1CF70]  }
0x42: {  	[tilespmem:s17+$0x1CF10] =	vst v11;
	v4 =	vadd.f32 v4, v9  }
0x43: {  	[tilespmem:s17+$0x1CF20] =	vst v5;
	v3 =	vadd.f32 v3, v8  }
0x44: {  	[tilespmem:s17+$0x1CF30] =	vst v4;
	v2 =	vadd.f32 v2, v6  }
0x45: {  	[tilespmem:s17+$0x1CF40] =	vst v3;
	v1 =	vadd.f32 v1, v7  }
0x46: {  	[tilespmem:s17+$0x1CF50] =	vst v2;
	v0 =	vadd.f32 v0, v63  }
0x47: {  	[tilespmem:s17+$0x1CF60] =	vst v1  }
0x48: {  	[tilespmem:s17+$0x1CF70] =	vst v0;
	s17 =	simm.s32 $0x0  }
0x49: {  	[hbm4b:s9+s17] =	stream.linear.scatter [tilespmem:s16], [sflag:$0x7], $0x800, $0x38;
	[tilespmem:$0x1DF00] =	vst v63  }
0x4a: {  	_ =	swait.ge [sflag:s12], $0x800  }
0x4b: {  	[sflag:s12] =	ssyncset.done $0x0  }
0x4c: {  	s18 =	simm.s32 $0x4F00;
	[sflag:s12] =	ssyncadd.s32 $0xFFFFF800  }
0x4d: {  	[tilespmem:s18], [sflag:$0x1] =	stream.indirect.gather [hbm4b:s3+s21], $0x80, s17, s21, $0xb8;
	[tilespmem:$0x1DF00] =	vst v63  }
0x4e: {  	s23 =	simm.s32 $0x8F00  }
0x4f: {  	[tilespmem:s23], [sflag:$0x2] =	stream.indirect.gather [hbm4b:s5+s21], $0x80, s13, s21, $0xb8;
	[tilespmem:$0x1DF00] =	vst v63  }
0x50: {  	s24 =	simm.s32 $0x10F00  }
0x51: {  	[tilespmem:s24], [sflag:$0x4] =	stream.indirect.gather [hbm4b:s3+s21], $0x80, s21, s21, $0xb8;
	[tilespmem:$0x1DF00] =	vst v63  }
0x52: {  	_ = 	snop  }
0x53: {  	[tilespmem:s26], [sflag:$0x5] =	stream.indirect.gather [hbm4b:s5+s21], $0x80, s25, s21, $0xb8;
	[tilespmem:$0x1DF00] =	vst v63  }
.LBB2_4:
0x54: {  	_ =	swait.ge [sflag:s19], $0x4000  }
0x55: {  	[sflag:s19] =	ssyncset.done $0x0  }
0x56: {  	[sflag:s19] =	ssyncadd.s32 $0xFFFFC000  }
0x57: {  	_ =	swait.ge [sflag:s20], $0x4000  }
0x58: {  	p1 =	seq.s32 s17, $0x0;
	[sflag:s20] =	ssyncset.done $0x0  }
0x59: {  	s18 =	simm.s32 @!p1 $0x3;
	[sflag:s20] =	ssyncadd.s32 $0xFFFFC000  }
0x5a: {  	_ =	swait.ge @!p1 [sflag:s18], $0x4000  }
0x5b: {  	[sflag:s18] =	ssyncset.done @!p1 $0x0  }
0x5c: {  	s22 =	simm.s32 $0x0;
	[sflag:s18] =	ssyncadd.s32 @!p1 $0xFFFFC000  }
0x5d: {  	v0 =	vld [tilespmem:s22+$0x4F70]  }
0x5e: {  	v1 =	vld [tilespmem:s22+$0x8F70]  }
0x5f: {  	v2 =	vld [tilespmem:s22+$0x4F00]  }
0x60: {  	v3 =	vld [tilespmem:s22+$0x8F00]  }
0x61: {  	v4 =	vld [tilespmem:s22+$0x4F10]  }
0x62: {  	v5 =	vld [tilespmem:s22+$0x8F10]  }
0x63: {  	v6 =	vld [tilespmem:s22+$0x4F20]  }
0x64: {  	v7 =	vld [tilespmem:s22+$0x4F30]  }
0x65: {  	v0 =	vadd.f32 v1, v0;
	v1 =	vld [tilespmem:s22+$0x8F20]  }
0x66: {  	v8 =	vld [tilespmem:s22+$0x8F30]  }
0x67: {  	v9 =	vld [tilespmem:s22+$0x8F40];
	v2 =	vadd.f32 v3, v2  }
0x68: {  	[tilespmem:s22+$0xCF70] =	vst v0;
	v0 =	vadd.f32 v5, v4;
	v5 =	vld [tilespmem:s22+$0x4F40]  }
0x69: {  	v3 =	vld [tilespmem:s22+$0x8F50];
	[tilespmem:s22+$0xCF00] =	vst v2  }
0x6a: {  	v2 =	vld [tilespmem:s22+$0x4F50];
	[tilespmem:s22+$0xCF10] =	vst v0;
	v0 =	vadd.f32 v1, v6  }
0x6b: {  	v4 =	vld [tilespmem:s22+$0x8F60];
	v6 =	vadd.f32 v8, v7  }
0x6c: {  	s23 =	simm.s32 $0x80;
	[tilespmem:s22+$0xCF20] =	vst v0;
	v0 =	vld [tilespmem:s22+$0x4F60]  }
0x6d: {  	s24 =	simm.s32 $0x400;
	s18 =	sshll.u32 s17, $0x8;
	v5 =	vadd.f32 v9, v5;
	v1 =	vld [tilespmem:s23+$0x4F70];
	[tilespmem:s22+$0xCF30] =	vst v6  }
.LBB2_5:
0x6e: {  	p0 =	sne.s32 s24, $0xFE00;
	v6 =	vld [tilespmem:s23+$0x8F70]  }
0x6f: {  	v7 =	vld [tilespmem:s23+$0x4F00];
	[tilespmem:s22+$0xCF40] =	vst v5;
	v2 =	vadd.f32 v3, v2  }
0x70: {  	v3 =	vld [tilespmem:s23+$0x8F00]  }
0x71: {  	v5 =	vld [tilespmem:s23+$0x4F10];
	[tilespmem:s22+$0xCF50] =	vst v2;
	v0 =	vadd.f32 v4, v0  }
0x72: {  	v2 =	vld [tilespmem:s23+$0x8F10]  }
0x73: {  	v4 =	vld [tilespmem:s23+$0x4F20];
	v1 =	vadd.f32 v6, v1;
	[tilespmem:s22+$0xCF60] =	vst v0;
	s22 =	smov.u32 s23  }
0x74: {  	v0 =	vld [tilespmem:s22+$0x8F20]  }
0x75: {  	v3 =	vadd.f32 v3, v7;
	v6 =	vld [tilespmem:s22+$0x4F30];
	[tilespmem:s22+$0xCF70] =	vst v1  }
0x76: {  	v1 =	vld [tilespmem:s22+$0x8F30]  }
0x77: {  	[tilespmem:s22+$0xCF00] =	vst v3;
	v2 =	vadd.f32 v2, v5;
	v5 =	vld [tilespmem:s22+$0x4F40]  }
0x78: {  	v7 =	vld [tilespmem:s22+$0x8F40]  }
.Ltmp1:
0x79: {  	[tilespmem:s22+$0xCF10] =	vst v2;
	v0 =	vadd.f32 v0, v4;
	v2 =	vld [tilespmem:s22+$0x4F50];
	(pc) =	sbr.rel @p0 .LBB2_5-.Ltmp1, $4  }
0x7a: {  	v3 =	vld [tilespmem:s22+$0x8F50]  }
0x7b: {  	[tilespmem:s22+$0xCF20] =	vst v0;
	v6 =	vadd.f32 v1, v6;
	v0 =	vld [tilespmem:s22+$0x4F60]  }
0x7c: {  	s23 =	sshra.s32 s24, $0x2;
	v4 =	vld [tilespmem:s22+$0x8F60]  }
0x7d: {  	s24 =	sadd.s32 $0x200, s24;
	v1 =	vld [tilespmem:s23+$0x4F70];
	[tilespmem:s22+$0xCF30] =	vst v6;
	v5 =	vadd.f32 v7, v5  }
0x7e: {  	v6 =	vld [tilespmem:s23+$0x8F70]  }
0x7f: {  	v7 =	vld [tilespmem:s23+$0x4F00];
	[tilespmem:s22+$0xCF40] =	vst v5;
	v2 =	vadd.f32 v3, v2  }
0x80: {  	v3 =	vld [tilespmem:s23+$0x8F00]  }
0x81: {  	v5 =	vld [tilespmem:s23+$0x4F10];
	[tilespmem:s22+$0xCF50] =	vst v2;
	v0 =	vadd.f32 v4, v0  }
0x82: {  	v2 =	vld [tilespmem:s23+$0x8F10]  }
0x83: {  	v4 =	vld [tilespmem:s23+$0x4F20];
	[tilespmem:s22+$0xCF60] =	vst v0  }
0x84: {  	v0 =	vadd.f32 v6, v1;
	v1 =	vld [tilespmem:s23+$0x8F20]  }
0x85: {  	v6 =	vld [tilespmem:s23+$0x4F30]  }
0x86: {  	v3 =	vadd.f32 v3, v7;
	[tilespmem:s23+$0xCF70] =	vst v0;
	v0 =	vld [tilespmem:s23+$0x8F30]  }
0x87: {  	v7 =	vld [tilespmem:s23+$0x8F60]  }
0x88: {  	[tilespmem:s23+$0xCF00] =	vst v3;
	v2 =	vadd.f32 v2, v5;
	v3 =	vld [tilespmem:s23+$0x4F40]  }
0x89: {  	v5 =	vld [tilespmem:s23+$0x8F40]  }
0x8a: {  	[tilespmem:s23+$0xCF10] =	vst v2;
	v1 =	vadd.f32 v1, v4;
	v2 =	vld [tilespmem:s23+$0x4F50]  }
0x8b: {  	v4 =	vld [tilespmem:s23+$0x8F50]  }
0x8c: {  	[tilespmem:s23+$0xCF20] =	vst v1;
	v1 =	vld [tilespmem:s23+$0x4F60];
	_ =	sdelay $0x1  }
0x8d: {  	v0 =	vadd.f32 v0, v6  }
0x8e: {  	v3 =	vadd.f32 v5, v3  }
0x8f: {  	[tilespmem:s23+$0xCF30] =	vst v0;
	v0 =	vadd.f32 v4, v2  }
0x90: {  	[tilespmem:s23+$0xCF40] =	vst v3;
	v1 =	vadd.f32 v7, v1  }
0x91: {  	p0 =	seq.s32 s17, $0x26;
	[tilespmem:s23+$0xCF50] =	vst v0  }
0x92: {  	s24 =	simm.s32 @!p0 $0x4F00;
	s22 =	sadd.s32 @!p0 $0x100, s18;
	[tilespmem:s23+$0xCF60] =	vst v1;
	s23 =	simm.s32 @!p0 $0x80  }
0x93: {  	[tilespmem:s24], [sflag:$0x1] =	stream.indirect.gather @!p0 [hbm4b:s3+s23], $0x80, s22, s23, $0xb8;
	[tilespmem:$0x1DF00] =	vst v63  }
0x94: {  	s22 =	sadd.s32 @!p0 $0x2880, s18;
	s24 =	simm.s32 @!p0 $0x8F00  }
0x95: {  	[tilespmem:s24], [sflag:$0x2] =	stream.indirect.gather @!p0 [hbm4b:s5+s23], $0x80, s22, s23, $0xb8;
	[tilespmem:$0x1DF00] =	vst v63  }
0x96: {  	s24 =	sshll.u32 s17, $0xF  }
0x97: {  	s22 =	sadd.s32 s4, s24  }
0x98: {  	s22 =	sshrl.u32 s22, $0x3  }
0x99: {  	s22 =	sadd.s32 s6, s22  }
0x9a: {  	[hbm4b:s22+s2] =	stream.linear.scatter [tilespmem:s28], [sflag:$0x3], $0x4000, $0x38;
	[tilespmem:$0x1DF00] =	vst v63  }
0x9b: {  	_ =	swait.ge [sflag:s29], $0x4000  }
0x9c: {  	[sflag:s29] =	ssyncset.done $0x0  }
0x9d: {  	[sflag:s29] =	ssyncadd.s32 $0xFFFFC000  }
0x9e: {  	_ =	swait.ge [sflag:s30], $0x4000  }
0x9f: {  	[sflag:s30] =	ssyncset.done $0x0  }
0xa0: {  	s22 =	simm.s32 @!p1 $0x6;
	[sflag:s30] =	ssyncadd.s32 $0xFFFFC000  }
0xa1: {  	_ =	swait.ge @!p1 [sflag:s22], $0x4000  }
0xa2: {  	[sflag:s22] =	ssyncset.done @!p1 $0x0  }
0xa3: {  	[sflag:s22] =	ssyncadd.s32 @!p1 $0xFFFFC000;
	s22 =	simm.s32 $0x0  }
0xa4: {  	v0 =	vld [tilespmem:s22+$0x10F70]  }
0xa5: {  	v1 =	vld [tilespmem:s22+$0x14F70]  }
0xa6: {  	v2 =	vld [tilespmem:s22+$0x10F00]  }
0xa7: {  	v3 =	vld [tilespmem:s22+$0x14F00]  }
0xa8: {  	v4 =	vld [tilespmem:s22+$0x10F10]  }
0xa9: {  	v5 =	vld [tilespmem:s22+$0x14F10]  }
0xaa: {  	v6 =	vld [tilespmem:s22+$0x10F20]  }
0xab: {  	v7 =	vld [tilespmem:s22+$0x10F30]  }
0xac: {  	v0 =	vadd.f32 v1, v0;
	v1 =	vld [tilespmem:s22+$0x14F20]  }
0xad: {  	v8 =	vld [tilespmem:s22+$0x14F30]  }
0xae: {  	v9 =	vld [tilespmem:s22+$0x14F40];
	v2 =	vadd.f32 v3, v2  }
0xaf: {  	[tilespmem:s22+$0x18F70] =	vst v0;
	v0 =	vadd.f32 v5, v4;
	v5 =	vld [tilespmem:s22+$0x10F40]  }
0xb0: {  	v3 =	vld [tilespmem:s22+$0x14F50];
	[tilespmem:s22+$0x18F00] =	vst v2  }
0xb1: {  	v2 =	vld [tilespmem:s22+$0x10F50];
	[tilespmem:s22+$0x18F10] =	vst v0;
	v0 =	vadd.f32 v1, v6  }
0xb2: {  	v4 =	vld [tilespmem:s22+$0x14F60];
	v6 =	vadd.f32 v8, v7  }
0xb3: {  	s23 =	simm.s32 $0x80;
	[tilespmem:s22+$0x18F20] =	vst v0;
	v0 =	vld [tilespmem:s22+$0x10F60]  }
0xb4: {  	s24 =	simm.s32 $0x400;
	v5 =	vadd.f32 v9, v5;
	v1 =	vld [tilespmem:s23+$0x10F70];
	[tilespmem:s22+$0x18F30] =	vst v6  }
.LBB2_7:
0xb5: {  	p1 =	sne.s32 s24, $0xFE00;
	v6 =	vld [tilespmem:s23+$0x14F70]  }
0xb6: {  	v7 =	vld [tilespmem:s23+$0x10F00];
	[tilespmem:s22+$0x18F40] =	vst v5;
	v2 =	vadd.f32 v3, v2  }
0xb7: {  	v3 =	vld [tilespmem:s23+$0x14F00]  }
0xb8: {  	v5 =	vld [tilespmem:s23+$0x10F10];
	[tilespmem:s22+$0x18F50] =	vst v2;
	v0 =	vadd.f32 v4, v0  }
0xb9: {  	v2 =	vld [tilespmem:s23+$0x14F10]  }
0xba: {  	v4 =	vld [tilespmem:s23+$0x10F20];
	v1 =	vadd.f32 v6, v1;
	[tilespmem:s22+$0x18F60] =	vst v0;
	s22 =	smov.u32 s23  }
0xbb: {  	v0 =	vld [tilespmem:s22+$0x14F20]  }
0xbc: {  	v3 =	vadd.f32 v3, v7;
	v6 =	vld [tilespmem:s22+$0x10F30];
	[tilespmem:s22+$0x18F70] =	vst v1  }
0xbd: {  	v1 =	vld [tilespmem:s22+$0x14F30]  }
0xbe: {  	[tilespmem:s22+$0x18F00] =	vst v3;
	v2 =	vadd.f32 v2, v5;
	v5 =	vld [tilespmem:s22+$0x10F40]  }
0xbf: {  	v7 =	vld [tilespmem:s22+$0x14F40]  }
.Ltmp2:
0xc0: {  	[tilespmem:s22+$0x18F10] =	vst v2;
	v0 =	vadd.f32 v0, v4;
	v2 =	vld [tilespmem:s22+$0x10F50];
	(pc) =	sbr.rel @p1 .LBB2_7-.Ltmp2, $4  }
0xc1: {  	v3 =	vld [tilespmem:s22+$0x14F50]  }
0xc2: {  	[tilespmem:s22+$0x18F20] =	vst v0;
	v6 =	vadd.f32 v1, v6;
	v0 =	vld [tilespmem:s22+$0x10F60]  }
0xc3: {  	s23 =	sshra.s32 s24, $0x2;
	v4 =	vld [tilespmem:s22+$0x14F60]  }
0xc4: {  	s24 =	sadd.s32 $0x200, s24;
	v1 =	vld [tilespmem:s23+$0x10F70];
	[tilespmem:s22+$0x18F30] =	vst v6;
	v5 =	vadd.f32 v7, v5  }
0xc5: {  	v6 =	vld [tilespmem:s23+$0x14F70]  }
0xc6: {  	v7 =	vld [tilespmem:s23+$0x10F00];
	[tilespmem:s22+$0x18F40] =	vst v5;
	v2 =	vadd.f32 v3, v2  }
0xc7: {  	v51 =	vld [tilespmem:s23+$0x14F00]  }
0xc8: {  	v5 =	vld [tilespmem:s23+$0x10F10];
	[tilespmem:s22+$0x18F50] =	vst v2;
	v0 =	vadd.f32 v4, v0  }
0xc9: {  	v2 =	vld [tilespmem:s23+$0x14F10]  }
0xca: {  	v52 =	vld [tilespmem:s23+$0x10F20];
	[tilespmem:s22+$0x18F60] =	vst v0  }
0xcb: {  	v54 =	vld [tilespmem:s23+$0x14F20]  }
0xcc: {  	v55 =	vld [tilespmem:s23+$0x10F30]  }
0xcd: {  	v56 =	vld [tilespmem:s23+$0x14F30]  }
0xce: {  	v57 =	vld [tilespmem:s23+$0x10F40]  }
0xcf: {  	v58 =	vld [tilespmem:s23+$0x14F40]  }
0xd0: {  	v59 =	vld [tilespmem:s23+$0x10F50]  }
0xd1: {  	v53 =	vadd.f32 v6, v1;
	v60 =	vld [tilespmem:s23+$0x14F50]  }
0xd2: {  	v61 =	vld [tilespmem:s23+$0x10F60];
	v3 =	vadd.f32 v51, v7  }
0xd3: {  	v62 =	vld [tilespmem:s23+$0x14F60];
	[tilespmem:s23+$0x18F70] =	vst v53;
	v2 =	vadd.f32 v2, v5  }
0xd4: {  	[tilespmem:s23+$0x18F00] =	vst v3;
	v1 =	vadd.f32 v54, v52  }
0xd5: {  	[tilespmem:s23+$0x18F10] =	vst v2;
	v0 =	vadd.f32 v56, v55  }
0xd6: {  	v3 =	vadd.f32 v58, v57;
	[tilespmem:s23+$0x18F20] =	vst v1  }
0xd7: {  	v63 =	vadd.f32 v60, v59;
	[tilespmem:s23+$0x18F30] =	vst v0  }
0xd8: {  	[tilespmem:s23+$0x18F40] =	vst v3;
	v1 =	vadd.f32 v62, v61  }
0xd9: {  	[tilespmem:s23+$0x18F50] =	vst v63  }
0xda: {  	s24 =	simm.s32 @!p0 $0x10F00;
	s22 =	sadd.s32 @!p0 $0x180, s18;
	[tilespmem:s23+$0x18F60] =	vst v1;
	s23 =	simm.s32 @!p0 $0x80  }
0xdb: {  	[tilespmem:s24], [sflag:$0x4] =	stream.indirect.gather @!p0 [hbm4b:s3+s23], $0x80, s22, s23, $0xb8;
	[tilespmem:$0x1DF00] =	vst v63  }
0xdc: {  	s17 =	sadd.s32 $0x1, s17;
	s22 =	sadd.s32 @!p0 $0x2900, s18;
	s24 =	simm.s32 @!p0 $0x14F00  }
0xdd: {  	[tilespmem:s24], [sflag:$0x5] =	stream.indirect.gather @!p0 [hbm4b:s5+s23], $0x80, s22, s23, $0xb8;
	[tilespmem:$0x1DF00] =	vst v63  }
0xde: {  	p0 =	sne.s32 s17, $0x27  }
.Ltmp3:
0xdf: {  	_ = 	snop;
	(pc) =	sbr.rel @p0 .LBB2_4-.Ltmp3, $4  }
0xe0: {  	s24 =	sadd.s32 s18, s10  }
0xe1: {  	s18 =	sshll.u32 s24, $0x4  }
0xe2: {  	s18 =	sadd.s32 s6, s18  }
0xe3: {  	[hbm4b:s18+s2] =	stream.linear.scatter [tilespmem:s31], [sflag:$0x6], $0x4000, $0x38;
	[tilespmem:$0x1DF00] =	vst v63  }
0xe4: {  	s15 =	sadd.s32 $0x1, s15  }
0xe5: {  	_ =	swait.ge [sflag:s0], $0x4000;
	p0 =	sne.s32 s15, s11  }
.Ltmp4:
0xe6: {  	[sflag:s0] =	ssyncset.done $0x0;
	(pc) =	sbr.rel @p0 .LBB2_1-.Ltmp4, $4  }
0xe7: {  	[sflag:s0] =	ssyncadd.s32 $0xFFFFC000  }
0xe8: {  	_ =	swait.ge [sflag:s1], $0x4000  }
0xe9: {  	[sflag:s1] =	ssyncset.done $0x0  }
0xea: {  	[sflag:s1] =	ssyncadd.s32 $0xFFFFC000  }
0xeb: {  	_ =	sfence.sel $0x180000  }
0xec: {  	[bflag:$0x0] =	sbarrier.arrive $0xFFFF  }
0xed: {  	_ =	strace $0x90000047  }
0xee: {  	s0 =	stileid.u32;
	[bflag:$0x2] =	sbarrier.arrive $0xFFFF  }
0xef: {  	p0 =	sne.s32 s0, $0x0;
	s0 =	rddreg [dreg:$0x3]  }
0xf0: {  	s0 =	sadd.s32 @!p0 $0x100000, s0  }
0xf1: {  	[sflag:s0] =	ssyncadd.tile.s32 @!p0 $0x1;
	_ =	shalt  }
.Lfunc_end2:
_tile_overlayer_lowered:
.L_overlay_start_2:
0xf2: {  	(tag) =	ssettag $0x2  }
0xf3: {  	s0 =	rddreg [dreg:$0x0];
	s2 =	stileid.u32  }
0xf4: {  	s1 =	rddreg [dreg:$0x1];
	p0 =	sne.s32 s2, $0x0  }
0xf5: {  	s3 =	rddreg [dreg:$0x2];
	[bflag:$0x3] =	sbarrier.arrive $0xFFFF;
	s2 =	simm.s32 @!p0 $0x1C07  }
0xf6: {  	[timem:s3], [sflag:s2] =	dma.local @!p0 [hbm:s0], s1  }
0xf7: {  	s0 =	simm.s32 @!p0 $0x7  }
0xf8: {  	_ =	swait.ge @!p0 [sflag:s0], s1  }
0xf9: {  	s1 =	ssub.s32 @!p0 $0x0, s1;
	[sflag:s0] =	ssyncset.done @!p0 $0x0  }
0xfa: {  	[sflag:s0] =	ssyncadd.s32 @!p0 s1  }
0xfb: {  	[bflag:$0x3] =	sbarrier.arrive $0xFFFF  }
0xfc: {  	_ =	shalt  }

</sc_bundles>
